<compile_context>
chip_gen: v7x
topology: tpu7x:2x2x1
jax: 0.10.2.dev20260603
libtpu: 0.0.44.dev20260713+nightly
codegen_flags: <defaults>
</compile_context>

<pallas_src>
import functools

import jax
import jax.numpy as jnp
import numpy as np
from jax import lax
from jax.experimental import pallas as pl
from jax.experimental.pallas import tpu as pltpu
from jax.experimental.pallas import tpu_sc as plsc

ROWS = 16384
IN_COLS = 2048
OUT_COLS = 1024

NUM_WORKERS = 32
ROWS_PER_WORKER = ROWS // NUM_WORKERS
CHUNK_ROWS = 8
NBUF = 4
CHUNKS_PER_WORKER = ROWS_PER_WORKER // CHUNK_ROWS
LANES = 16

_CHOICE = np.array([1308, 98, 1494, 1367, 1392, 726, 410, 1311, 1631, 1841, 360, 1261, 1990, 139, 467, 1964, 1122, 1547, 739, 892, 198, 610, 1721, 1669, 1822, 1265, 1502, 1965, 858, 292, 210, 965, 1029, 1185, 1888, 1968, 688, 1230, 941, 158, 352, 539, 294, 795, 26, 919, 120, 853, 216, 340, 1356, 1324, 1164, 236, 13, 482, 414, 1168, 1726, 1854, 873, 883, 1909, 1982, 73, 90, 107, 953, 114, 752, 1388, 1274, 1556, 702, 88, 226, 868, 1707, 49, 488, 1761, 1248, 423, 442, 641, 1767, 1755, 1012, 1570, 1598, 0, 1111, 855, 1142, 1713, 601, 529, 34, 1522, 1187, 305, 1087, 202, 948, 751, 443, 806, 206, 1067, 803, 637, 250, 1224, 51, 1147, 1772, 533, 457, 661, 1402, 863, 242, 1534, 1366, 666, 1756, 1445, 622, 709, 437, 519, 142, 1847, 1658, 95, 1700, 1863, 1381, 1042, 991, 75, 357, 794, 1549, 495, 1614, 1451, 525, 1262, 1030, 1925, 1904, 404, 1680, 1942, 200, 385, 1134, 239, 2003, 39, 619, 1327, 459, 680, 1475, 432, 694, 1518, 141, 588, 685, 1660, 122, 715, 1783, 35, 1139, 274, 797, 1346, 608, 670, 2001, 362, 409, 1428, 978, 658, 1543, 1341, 1343, 1708, 958, 1843, 1440, 1406, 378, 1719, 341, 123, 1306, 116, 1107, 1967, 21, 1781, 1896, 1056, 1026, 551, 1450, 1926, 1711, 370, 649, 268, 307, 2034, 2011, 168, 1500, 1739, 2000, 1218, 503, 1325, 748, 1616, 1193, 1605, 1437, 1319, 1595, 1427, 252, 1481, 1851, 1116, 1102, 902, 4, 1053, 273, 1098, 600, 1453, 386, 1927, 1734, 1859, 1974, 1221, 1683, 763, 1532, 1724, 365, 829, 732, 1277, 1831, 1439, 586, 890, 1836, 96, 1656, 581, 230, 900, 1943, 1498, 416, 1, 1794, 1106, 152, 520, 827, 969, 1206, 245, 1624, 1741, 452, 1803, 129, 549, 76, 924, 857, 1931, 884, 623, 1174, 558, 862, 1826, 315, 448, 361, 754, 1559, 568, 1586, 254, 1035, 952, 81, 769, 41, 1144, 2018, 501, 248, 1268, 382, 575, 1899, 1104, 2019, 1213, 1489, 338, 1045, 973, 280, 1121, 255, 1099, 1579, 954, 1555, 1061, 921, 89, 1090, 1569, 422, 1635, 400, 93, 1241, 1373, 407, 1079, 205, 209, 363, 1988, 839, 636, 871, 647, 1796, 698, 1048, 615, 218, 1186, 894, 434, 1393, 767, 1088, 672, 1084, 47, 692, 293, 66, 1845, 70, 756, 174, 222, 1457, 2014, 532, 1520, 1821, 1645, 1077, 1488, 1149, 793, 1097, 1001, 1671, 1618, 1505, 1811, 1156, 387, 1685, 1674, 426, 1008, 128, 617, 882, 980, 648, 1524, 1996, 1938, 1597, 194, 1834, 1467, 1949, 1289, 1743, 312, 1833, 1615, 1305, 1027, 1095, 1177, 598, 1212, 393, 1897, 1986, 1485, 917, 285, 1940, 321, 347, 1566, 950, 1966, 1062, 611, 728, 1257, 11, 1426, 1307, 1676, 435, 1873, 984, 1696, 1083, 1215, 741, 1960, 625, 1419, 845, 1345, 1535, 308, 309, 1171, 572, 779, 785, 1571, 824, 557, 1916, 1359, 578, 156, 771, 440, 1058, 430, 706, 1805, 9, 1123, 1023, 1145, 244, 1663, 1161, 1878, 1934, 1880, 1483, 1544, 997, 1234, 681, 1094, 727, 1179, 1376, 1953, 492, 1499, 995, 718, 736, 333, 1792, 1390, 1000, 1868, 1253, 1205, 957, 1014, 345, 787, 961, 1906, 1944, 498, 59, 1918, 303, 1291, 994, 789, 306, 1060, 1496, 2025, 1347, 1735, 712, 913, 1162, 322, 605, 1175, 696, 1638, 1923, 2035, 469, 1619, 1632, 1052, 2036, 104, 155, 1143, 1070, 679, 554, 1389, 990, 1908, 1991, 955, 1917, 477, 241, 840, 1507, 1120, 583, 584, 2020, 286, 282, 324, 375, 1091, 1812, 401, 471, 50, 776, 1935, 311, 881, 872, 464, 1609, 1462, 1071, 36, 550, 1242, 1076, 1993, 58, 521, 1890, 1446, 1290, 559, 505, 203, 344, 251, 669, 1247, 468, 447, 676, 329, 395, 1133, 1703, 381, 2045, 176, 1266, 846, 1448, 906, 1759, 677, 1819, 1576, 1046, 1217, 1649, 454, 461, 589, 527, 1806, 153, 481, 1384, 462, 368, 118, 1281, 173, 962, 1521, 1220, 1970, 97, 655, 1928, 74, 472, 1865, 590, 358, 916, 1973, 1320, 1853, 1279, 33, 67, 438, 1705, 877, 909, 656, 121, 1041, 542, 690, 94, 424, 1434, 1804, 885, 290, 1447, 1848, 770, 800, 1286, 335, 592, 2041, 1983, 1314, 1210, 53, 1687, 1348, 64, 1684, 1225, 939, 1932, 889, 1201, 1747, 1478, 1517, 1647, 154, 1946, 148, 1044, 711, 259, 1736, 453, 342, 1501, 211, 936, 1016, 534, 327, 528, 725, 878, 1477, 1670, 1117, 697, 1137, 582, 110, 1894, 1950, 1280, 316, 657, 1140, 337, 1563, 1387, 1442, 970, 1539, 1737, 1930, 1011, 48, 1131, 993, 1157, 911, 1976, 379, 644, 112, 1113, 1602, 1471, 1444, 1951, 573, 1929, 460, 838, 1907, 1295, 246, 40, 1695, 1115, 742, 875, 111, 412, 1648, 1745, 159, 1655, 1013, 1249, 1738, 814, 1617, 1560, 1129, 691, 546, 1902, 1441, 301, 466, 1303, 804, 1731, 243, 502, 1552, 1704, 844, 1654, 1433, 1766, 999, 170, 1251, 1958, 1391, 102, 515, 1611, 843, 531, 1302, 2028, 587, 483, 1125, 1336, 392, 297, 348, 1893, 1898, 220, 1877, 1508, 2039, 979, 31, 1321, 221, 319, 1329, 476, 1613, 576, 470, 1798, 1255, 1709, 1369, 1370, 1955, 1797, 1725, 635, 69, 1577, 1591, 1410, 1978, 295, 1059, 389, 825, 836, 960, 402, 928, 237, 1723, 484, 1795, 1342, 989, 1228, 1411, 22, 191, 1528, 223, 1153, 1417, 992, 1470, 1354, 543, 629, 998, 1554, 182, 1722, 195, 1533, 1855, 1551, 1317, 848, 1901, 905, 172, 1921, 1860, 330, 1947, 313, 1782, 227, 719, 895, 1565, 1604, 1039, 856, 1422, 1178, 238, 634, 737, 1191, 1583, 108, 351, 1531, 1748, 602, 790, 2047, 523, 78, 1004, 1380, 2042, 1033, 213, 1939, 1232, 645, 479, 275, 166, 1260, 1913, 418, 383, 982, 1297, 25, 1775, 512, 1646, 959, 609, 1607, 1304, 834, 1937, 1009, 792, 553, 371, 652, 1665, 16, 1810, 567, 217, 1032, 1207, 1692, 933, 72, 1425, 796, 612, 1181, 1360, 570, 1100, 721, 374, 1874, 284, 1962, 977, 1786, 486, 1066, 1801, 577, 510, 816, 1337, 177, 1657, 1283, 2008, 1673, 463, 1264, 1017, 556, 1105, 119, 1007, 1542, 1486, 1817, 289, 1491, 3, 1195, 693, 1294, 146, 701, 654, 975, 1429, 2007, 1003, 942, 915, 1288, 1779, 837, 229, 607, 126, 1636, 540, 1884, 184, 922, 1364, 1093, 1809, 1051, 1562, 621, 594, 113, 1513, 1235, 805, 1784, 23, 1377, 272, 760], dtype=np.int32)


def _sc_body(x_hbm, idx_hbm, out_hbm, idx_v,
             in_bufs, out_bufs, in_sems, out_sems):
    c = lax.axis_index("c")
    s = lax.axis_index("s")
    wid = s * 2 + c
    base = wid * ROWS_PER_WORKER

    def in_copy(ci, b):
        row0 = base + ci * CHUNK_ROWS
        return pltpu.make_async_copy(
            x_hbm.at[pl.ds(row0, CHUNK_ROWS)], in_bufs[b], in_sems[b])

    def out_copy(ci, b):
        row0 = base + ci * CHUNK_ROWS
        return pltpu.make_async_copy(
            out_bufs[b], out_hbm.at[pl.ds(row0, CHUNK_ROWS)], out_sems[b])

    def gather_chunk(b):
        in_buf = in_bufs[b]
        out_buf = out_bufs[b]

        @plsc.parallel_loop(0, OUT_COLS, step=LANES, unroll=4)
        def j_body(j0):
            col = idx_v[pl.ds(j0, LANES)]
            for r in range(CHUNK_ROWS):
                row_idx = jnp.full((LANES,), r, jnp.int32)
                v = plsc.load_gather(in_buf, [row_idx, col])
                out_buf[r, pl.ds(j0, LANES)] = v

    for b in range(NBUF):
        in_copy(b, b).start()
    pltpu.sync_copy(idx_hbm, idx_v)

    def loop_body(ci, carry):
        for b in range(NBUF):
            in_copy(ci + b, b).wait()

            @pl.when(ci > 0)
            def _():
                out_copy(ci + b, b).wait()

            gather_chunk(b)
            out_copy(ci + b, b).start()

            @pl.when(ci + NBUF + b < CHUNKS_PER_WORKER)
            def _():
                in_copy(ci + NBUF + b, b).start()
        return carry

    lax.fori_loop(0, CHUNKS_PER_WORKER // NBUF,
                  lambda i, cr: loop_body(i * NBUF, cr), 0)
    for b in range(NBUF):
        out_copy(0, b).wait()


@functools.partial(jax.jit, static_argnums=())
def kernel(x):
    mesh = plsc.VectorSubcoreMesh(core_axis_name="c", subcore_axis_name="s")
    run = pl.kernel(
        _sc_body,
        out_type=jax.ShapeDtypeStruct((ROWS, OUT_COLS), jnp.float32),
        mesh=mesh,
        scratch_types=[
            pltpu.VMEM((OUT_COLS,), jnp.int32),
            tuple(pltpu.VMEM((CHUNK_ROWS, IN_COLS), jnp.float32)
                  for _ in range(NBUF)),
            tuple(pltpu.VMEM((CHUNK_ROWS, OUT_COLS), jnp.float32)
                  for _ in range(NBUF)),
            tuple(pltpu.SemaphoreType.DMA for _ in range(NBUF)),
            tuple(pltpu.SemaphoreType.DMA for _ in range(NBUF)),
        ],
        compiler_params=pltpu.CompilerParams(needs_layout_passes=False),
    )
    return run(x, jnp.asarray(_CHOICE))

# --- scband reference (transcript-rebuilt; emitter-appended) ---
"""Pipeline reference for scband-random-projection-skip-24867860644349 (READ-ONLY COPY).

The authoritative reference and input builder live on the scoring server;
editing this copy changes nothing except your own understanding.
"""

import jax, jax.numpy as jnp
import numpy as np

INPUT_NUM = 2048
OUTPUT_NUM = 1024
SCALE = 1.0

def setup_inputs(seed: int = 0) -> dict:
    key = jax.random.key(seed)
    x = jax.random.normal(key, (16384, INPUT_NUM), dtype=jnp.float32)
    return {"x": x}

def reference(x):
    # torch.randperm(input_num)[:output_num] -> deterministic jax equivalent
    perm = jax.random.permutation(jax.random.key(1), INPUT_NUM)
    choice = perm[:OUTPUT_NUM]
    # _shortcut: column gather
    identity = jnp.take(x, choice, axis=1)
    return identity * SCALE

if __name__ == "__main__":
    import jax
    _d = setup_inputs()
    print(jax.jit(kernel)(*tuple(_d.values())))

</pallas_src>

<mosaic_0001>
#map = affine_map<(d0, d1) -> (0, 0)>
#map1 = affine_map<(d0, d1) -> (0)>
module attributes {stable_mosaic.version = 14 : i64} {
  func.func @_sc_body(%arg0: i32, %arg1: i32, %arg2: memref<16384x2048xf32, #tpu.memory_space<hbm>>, %arg3: memref<1024xi32, #tpu.memory_space<hbm>>, %arg4: memref<16384x1024xf32, #tpu.memory_space<hbm>>, %arg5: memref<1024xi32, #tpu.memory_space<vmem>>, %arg6: memref<8x2048xf32, #tpu.memory_space<vmem>>, %arg7: memref<8x2048xf32, #tpu.memory_space<vmem>>, %arg8: memref<8x2048xf32, #tpu.memory_space<vmem>>, %arg9: memref<8x2048xf32, #tpu.memory_space<vmem>>, %arg10: memref<8x1024xf32, #tpu.memory_space<vmem>>, %arg11: memref<8x1024xf32, #tpu.memory_space<vmem>>, %arg12: memref<8x1024xf32, #tpu.memory_space<vmem>>, %arg13: memref<8x1024xf32, #tpu.memory_space<vmem>>, %arg14: memref<!tpu.dma_semaphore, #tpu.memory_space<semaphore_mem>>, %arg15: memref<!tpu.dma_semaphore, #tpu.memory_space<semaphore_mem>>, %arg16: memref<!tpu.dma_semaphore, #tpu.memory_space<semaphore_mem>>, %arg17: memref<!tpu.dma_semaphore, #tpu.memory_space<semaphore_mem>>, %arg18: memref<!tpu.dma_semaphore, #tpu.memory_space<semaphore_mem>>, %arg19: memref<!tpu.dma_semaphore, #tpu.memory_space<semaphore_mem>>, %arg20: memref<!tpu.dma_semaphore, #tpu.memory_space<semaphore_mem>>, %arg21: memref<!tpu.dma_semaphore, #tpu.memory_space<semaphore_mem>>) attributes {dimension_semantics = [#tpu.dimension_semantics<core_parallel>, #tpu.dimension_semantics<subcore_parallel>], iteration_bounds = array<i64: 2, 16>, scalar_prefetch = 0 : i64, scratch_operands = 17 : i64, tpu.core_type = #tpu.core_type<sc_vector_subcore>, window_params = [{transform_indices = #map}, {transform_indices = #map1}, {transform_indices = #map}]} {
    %mul3A = arith.constant 2 : i32
    %mul3A_0 = arith.muli %arg1, %mul3A : i32
    %add3A = arith.addi %mul3A_0, %arg0 : i32
    %mul3A_1 = arith.constant 512 : i32
    %mul3A_2 = arith.muli %add3A, %mul3A_1 : i32
    %add3A_3 = arith.constant 0 : i32
    %add3A_4 = arith.addi %mul3A_2, %add3A_3 : i32
    %dma_start3A = arith.constant 0 : i32
    %dma_start3A_5 = tpu.memref_slice %arg2[%add3A_4, %dma_start3A] : memref<16384x2048xf32, #tpu.memory_space<hbm>> -> memref<8x2048xf32, #tpu.memory_space<hbm>>
    %dma_start3A_6 = arith.constant 0 : i32
    %dma_start3A_7 = tpu.memref_slice %arg2[%add3A_4, %dma_start3A_6] : memref<16384x2048xf32, #tpu.memory_space<hbm>> -> memref<8x2048xf32, #tpu.memory_space<hbm>>
    tpu.enqueue_dma source(%dma_start3A_7 : memref<8x2048xf32, #tpu.memory_space<hbm>>) target(%arg6 : memref<8x2048xf32, #tpu.memory_space<vmem>>) target_semaphore(%arg14 : memref<!tpu.dma_semaphore, #tpu.memory_space<semaphore_mem>>)
    %add3A_8 = arith.constant 8 : i32
    %add3A_9 = arith.addi %mul3A_2, %add3A_8 : i32
    %dma_start3A_10 = arith.constant 0 : i32
    %dma_start3A_11 = tpu.memref_slice %arg2[%add3A_9, %dma_start3A_10] : memref<16384x2048xf32, #tpu.memory_space<hbm>> -> memref<8x2048xf32, #tpu.memory_space<hbm>>
    %dma_start3A_12 = arith.constant 0 : i32
    %dma_start3A_13 = tpu.memref_slice %arg2[%add3A_9, %dma_start3A_12] : memref<16384x2048xf32, #tpu.memory_space<hbm>> -> memref<8x2048xf32, #tpu.memory_space<hbm>>
    tpu.enqueue_dma source(%dma_start3A_13 : memref<8x2048xf32, #tpu.memory_space<hbm>>) target(%arg7 : memref<8x2048xf32, #tpu.memory_space<vmem>>) target_semaphore(%arg15 : memref<!tpu.dma_semaphore, #tpu.memory_space<semaphore_mem>>)
    %add3A_14 = arith.constant 16 : i32
    %add3A_15 = arith.addi %mul3A_2, %add3A_14 : i32
    %dma_start3A_16 = arith.constant 0 : i32
    %dma_start3A_17 = tpu.memref_slice %arg2[%add3A_15, %dma_start3A_16] : memref<16384x2048xf32, #tpu.memory_space<hbm>> -> memref<8x2048xf32, #tpu.memory_space<hbm>>
    %dma_start3A_18 = arith.constant 0 : i32
    %dma_start3A_19 = tpu.memref_slice %arg2[%add3A_15, %dma_start3A_18] : memref<16384x2048xf32, #tpu.memory_space<hbm>> -> memref<8x2048xf32, #tpu.memory_space<hbm>>
    tpu.enqueue_dma source(%dma_start3A_19 : memref<8x2048xf32, #tpu.memory_space<hbm>>) target(%arg8 : memref<8x2048xf32, #tpu.memory_space<vmem>>) target_semaphore(%arg16 : memref<!tpu.dma_semaphore, #tpu.memory_space<semaphore_mem>>)
    %add3A_20 = arith.constant 24 : i32
    %add3A_21 = arith.addi %mul3A_2, %add3A_20 : i32
    %dma_start3A_22 = arith.constant 0 : i32
    %dma_start3A_23 = tpu.memref_slice %arg2[%add3A_21, %dma_start3A_22] : memref<16384x2048xf32, #tpu.memory_space<hbm>> -> memref<8x2048xf32, #tpu.memory_space<hbm>>
    %dma_start3A_24 = arith.constant 0 : i32
    %dma_start3A_25 = tpu.memref_slice %arg2[%add3A_21, %dma_start3A_24] : memref<16384x2048xf32, #tpu.memory_space<hbm>> -> memref<8x2048xf32, #tpu.memory_space<hbm>>
    tpu.enqueue_dma source(%dma_start3A_25 : memref<8x2048xf32, #tpu.memory_space<hbm>>) target(%arg9 : memref<8x2048xf32, #tpu.memory_space<vmem>>) target_semaphore(%arg17 : memref<!tpu.dma_semaphore, #tpu.memory_space<semaphore_mem>>)
    "tpu.region"() ({
      %run_scoped3A = tpu.sem_alloc : memref<!tpu.dma_semaphore, #tpu.memory_space<semaphore_mem>>
      tpu.enqueue_dma source(%arg3 : memref<1024xi32, #tpu.memory_space<hbm>>) target(%arg5 : memref<1024xi32, #tpu.memory_space<vmem>>) target_semaphore(%run_scoped3A : memref<!tpu.dma_semaphore, #tpu.memory_space<semaphore_mem>>)
      tpu.wait_dma2 semaphore(%run_scoped3A : memref<!tpu.dma_semaphore, #tpu.memory_space<semaphore_mem>>) src(%arg3 : memref<1024xi32, #tpu.memory_space<hbm>>) dst(%arg5 : memref<1024xi32, #tpu.memory_space<vmem>>)
      tpu.yield
    }) : () -> ()
    %scan3A = arith.constant 0 : i32
    %scan3A_26 = arith.constant 0 : i32
    %scan3A_27 = arith.constant 16 : i32
    %scan3A_28 = arith.addi %scan3A_26, %scan3A_27 : i32
    %scan3A_29 = arith.constant 1 : i32
    scf.for %scan3A_54 = %scan3A_26 to %scan3A_28 step %scan3A_29  : i32 {
      %mul3A_55 = arith.constant 4 : i32
      %mul3A_56 = arith.muli %scan3A_54, %mul3A_55 : i32
      %add3A_57 = arith.constant 0 : i32
      %add3A_58 = arith.addi %mul3A_56, %add3A_57 : i32
      %mul3A_59 = arith.constant 8 : i32
      %mul3A_60 = arith.muli %add3A_58, %mul3A_59 : i32
      %add3A_61 = arith.addi %mul3A_2, %mul3A_60 : i32
      %dma_wait3A_62 = arith.constant 0 : i32
      %dma_wait3A_63 = tpu.memref_slice %arg2[%add3A_61, %dma_wait3A_62] : memref<16384x2048xf32, #tpu.memory_space<hbm>> -> memref<8x2048xf32, #tpu.memory_space<hbm>>
      %dma_wait3A_64 = arith.constant 0 : i32
      %dma_wait3A_65 = tpu.memref_slice %arg2[%add3A_61, %dma_wait3A_64] : memref<16384x2048xf32, #tpu.memory_space<hbm>> -> memref<8x2048xf32, #tpu.memory_space<hbm>>
      tpu.wait_dma2 semaphore(%arg14 : memref<!tpu.dma_semaphore, #tpu.memory_space<semaphore_mem>>) src(%dma_wait3A_65 : memref<8x2048xf32, #tpu.memory_space<hbm>>) dst(%arg6 : memref<8x2048xf32, #tpu.memory_space<vmem>>)
      %gt3A = arith.constant 0 : i32
      %gt3A_66 = arith.cmpi sgt, %mul3A_56, %gt3A : i32
      %convert_element_type3A = arith.extui %gt3A_66 : i1 to i32
      %cond3A = arith.constant 0 : i32
      %cond3A_67 = arith.cmpi ne, %convert_element_type3A, %cond3A : i32
      scf.if %cond3A_67 {
        %add3A_192 = arith.constant 0 : i32
        %add3A_193 = arith.addi %mul3A_56, %add3A_192 : i32
        %mul3A_194 = arith.constant 8 : i32
        %mul3A_195 = arith.muli %add3A_193, %mul3A_194 : i32
        %add3A_196 = arith.addi %mul3A_2, %mul3A_195 : i32
        %dma_wait3A_197 = arith.constant 0 : i32
        %dma_wait3A_198 = tpu.memref_slice %arg4[%add3A_196, %dma_wait3A_197] : memref<16384x1024xf32, #tpu.memory_space<hbm>> -> memref<8x1024xf32, #tpu.memory_space<hbm>>
        %dma_wait3A_199 = arith.constant 0 : i32
        %dma_wait3A_200 = tpu.memref_slice %arg4[%add3A_196, %dma_wait3A_199] : memref<16384x1024xf32, #tpu.memory_space<hbm>> -> memref<8x1024xf32, #tpu.memory_space<hbm>>
        tpu.wait_dma2 semaphore(%arg18 : memref<!tpu.dma_semaphore, #tpu.memory_space<semaphore_mem>>) src(%arg10 : memref<8x1024xf32, #tpu.memory_space<vmem>>) dst(%dma_wait3A_200 : memref<8x1024xf32, #tpu.memory_space<hbm>>)
      } else {
      }
      %parallel_loop3A = arith.constant 0 : i32
      %parallel_loop3A_68 = arith.constant 1024 : i32
      %parallel_loop3A_69 = arith.constant 16 : i32
      scf.for %parallel_loop3A_192 = %parallel_loop3A to %parallel_loop3A_68 step %parallel_loop3A_69  : i32 {
        %parallel_loop3A_193 = arith.index_cast %parallel_loop3A_192 : i32 to index
        %parallel_loop3A_194 = tpu.vector_load %arg5[%parallel_loop3A_193] {strides = array<i32>} : memref<1024xi32, #tpu.memory_space<vmem>>, vector<16xi32>,
        %parallel_loop3A_195 = arith.constant 0 : i32
        %parallel_loop3A_196 = vector.broadcast %parallel_loop3A_195 : i32 to vector<16xi32>
        %parallel_loop3A_197 = tpu.vector_load_idx %arg6[%parallel_loop3A_196, %parallel_loop3A_194] : memref<8x2048xf32, #tpu.memory_space<vmem>>[vector<16xi32>, vector<16xi32>], vector<16xf32>,
        %parallel_loop3A_198 = arith.constant 0 : i32
        %parallel_loop3A_199 = arith.index_cast %parallel_loop3A_198 : i32 to index
        %parallel_loop3A_200 = arith.index_cast %parallel_loop3A_192 : i32 to index
        %parallel_loop3A_201 = tpu.vector_load %arg10[%parallel_loop3A_199, %parallel_loop3A_200] {strides = array<i32>} : memref<8x1024xf32, #tpu.memory_space<vmem>>, vector<16xf32>,
        tpu.vector_store %arg10[%parallel_loop3A_199, %parallel_loop3A_200], %parallel_loop3A_197 {strides = array<i32>} : memref<8x1024xf32, #tpu.memory_space<vmem>>, vector<16xf32>,
        %parallel_loop3A_202 = arith.constant 1 : i32
        %parallel_loop3A_203 = vector.broadcast %parallel_loop3A_202 : i32 to vector<16xi32>
        %parallel_loop3A_204 = tpu.vector_load_idx %arg6[%parallel_loop3A_203, %parallel_loop3A_194] : memref<8x2048xf32, #tpu.memory_space<vmem>>[vector<16xi32>, vector<16xi32>], vector<16xf32>,
        %parallel_loop3A_205 = arith.constant 1 : i32
        %parallel_loop3A_206 = arith.index_cast %parallel_loop3A_205 : i32 to index
        %parallel_loop3A_207 = arith.index_cast %parallel_loop3A_192 : i32 to index
        %parallel_loop3A_208 = tpu.vector_load %arg10[%parallel_loop3A_206, %parallel_loop3A_207] {strides = array<i32>} : memref<8x1024xf32, #tpu.memory_space<vmem>>, vector<16xf32>,
        tpu.vector_store %arg10[%parallel_loop3A_206, %parallel_loop3A_207], %parallel_loop3A_204 {strides = array<i32>} : memref<8x1024xf32, #tpu.memory_space<vmem>>, vector<16xf32>,
        %parallel_loop3A_209 = arith.constant 2 : i32
        %parallel_loop3A_210 = vector.broadcast %parallel_loop3A_209 : i32 to vector<16xi32>
        %parallel_loop3A_211 = tpu.vector_load_idx %arg6[%parallel_loop3A_210, %parallel_loop3A_194] : memref<8x2048xf32, #tpu.memory_space<vmem>>[vector<16xi32>, vector<16xi32>], vector<16xf32>,
        %parallel_loop3A_212 = arith.constant 2 : i32
        %parallel_loop3A_213 = arith.index_cast %parallel_loop3A_212 : i32 to index
        %parallel_loop3A_214 = arith.index_cast %parallel_loop3A_192 : i32 to index
        %parallel_loop3A_215 = tpu.vector_load %arg10[%parallel_loop3A_213, %parallel_loop3A_214] {strides = array<i32>} : memref<8x1024xf32, #tpu.memory_space<vmem>>, vector<16xf32>,
        tpu.vector_store %arg10[%parallel_loop3A_213, %parallel_loop3A_214], %parallel_loop3A_211 {strides = array<i32>} : memref<8x1024xf32, #tpu.memory_space<vmem>>, vector<16xf32>,
        %parallel_loop3A_216 = arith.constant 3 : i32
        %parallel_loop3A_217 = vector.broadcast %parallel_loop3A_216 : i32 to vector<16xi32>
        %parallel_loop3A_218 = tpu.vector_load_idx %arg6[%parallel_loop3A_217, %parallel_loop3A_194] : memref<8x2048xf32, #tpu.memory_space<vmem>>[vector<16xi32>, vector<16xi32>], vector<16xf32>,
        %parallel_loop3A_219 = arith.constant 3 : i32
        %parallel_loop3A_220 = arith.index_cast %parallel_loop3A_219 : i32 to index
        %parallel_loop3A_221 = arith.index_cast %parallel_loop3A_192 : i32 to index
        %parallel_loop3A_222 = tpu.vector_load %arg10[%parallel_loop3A_220, %parallel_loop3A_221] {strides = array<i32>} : memref<8x1024xf32, #tpu.memory_space<vmem>>, vector<16xf32>,
        tpu.vector_store %arg10[%parallel_loop3A_220, %parallel_loop3A_221], %parallel_loop3A_218 {strides = array<i32>} : memref<8x1024xf32, #tpu.memory_space<vmem>>, vector<16xf32>,
        %parallel_loop3A_223 = arith.constant 4 : i32
        %parallel_loop3A_224 = vector.broadcast %parallel_loop3A_223 : i32 to vector<16xi32>
        %parallel_loop3A_225 = tpu.vector_load_idx %arg6[%parallel_loop3A_224, %parallel_loop3A_194] : memref<8x2048xf32, #tpu.memory_space<vmem>>[vector<16xi32>, vector<16xi32>], vector<16xf32>,
        %parallel_loop3A_226 = arith.constant 4 : i32
        %parallel_loop3A_227 = arith.index_cast %parallel_loop3A_226 : i32 to index
        %parallel_loop3A_228 = arith.index_cast %parallel_loop3A_192 : i32 to index
        %parallel_loop3A_229 = tpu.vector_load %arg10[%parallel_loop3A_227, %parallel_loop3A_228] {strides = array<i32>} : memref<8x1024xf32, #tpu.memory_space<vmem>>, vector<16xf32>,
        tpu.vector_store %arg10[%parallel_loop3A_227, %parallel_loop3A_228], %parallel_loop3A_225 {strides = array<i32>} : memref<8x1024xf32, #tpu.memory_space<vmem>>, vector<16xf32>,
        %parallel_loop3A_230 = arith.constant 5 : i32
        %parallel_loop3A_231 = vector.broadcast %parallel_loop3A_230 : i32 to vector<16xi32>
        %parallel_loop3A_232 = tpu.vector_load_idx %arg6[%parallel_loop3A_231, %parallel_loop3A_194] : memref<8x2048xf32, #tpu.memory_space<vmem>>[vector<16xi32>, vector<16xi32>], vector<16xf32>,
        %parallel_loop3A_233 = arith.constant 5 : i32
        %parallel_loop3A_234 = arith.index_cast %parallel_loop3A_233 : i32 to index
        %parallel_loop3A_235 = arith.index_cast %parallel_loop3A_192 : i32 to index
        %parallel_loop3A_236 = tpu.vector_load %arg10[%parallel_loop3A_234, %parallel_loop3A_235] {strides = array<i32>} : memref<8x1024xf32, #tpu.memory_space<vmem>>, vector<16xf32>,
        tpu.vector_store %arg10[%parallel_loop3A_234, %parallel_loop3A_235], %parallel_loop3A_232 {strides = array<i32>} : memref<8x1024xf32, #tpu.memory_space<vmem>>, vector<16xf32>,
        %parallel_loop3A_237 = arith.constant 6 : i32
        %parallel_loop3A_238 = vector.broadcast %parallel_loop3A_237 : i32 to vector<16xi32>
        %parallel_loop3A_239 = tpu.vector_load_idx %arg6[%parallel_loop3A_238, %parallel_loop3A_194] : memref<8x2048xf32, #tpu.memory_space<vmem>>[vector<16xi32>, vector<16xi32>], vector<16xf32>,
        %parallel_loop3A_240 = arith.constant 6 : i32
        %parallel_loop3A_241 = arith.index_cast %parallel_loop3A_240 : i32 to index
        %parallel_loop3A_242 = arith.index_cast %parallel_loop3A_192 : i32 to index
        %parallel_loop3A_243 = tpu.vector_load %arg10[%parallel_loop3A_241, %parallel_loop3A_242] {strides = array<i32>} : memref<8x1024xf32, #tpu.memory_space<vmem>>, vector<16xf32>,
        tpu.vector_store %arg10[%parallel_loop3A_241, %parallel_loop3A_242], %parallel_loop3A_239 {strides = array<i32>} : memref<8x1024xf32, #tpu.memory_space<vmem>>, vector<16xf32>,
        %parallel_loop3A_244 = arith.constant 7 : i32
        %parallel_loop3A_245 = vector.broadcast %parallel_loop3A_244 : i32 to vector<16xi32>
        %parallel_loop3A_246 = tpu.vector_load_idx %arg6[%parallel_loop3A_245, %parallel_loop3A_194] : memref<8x2048xf32, #tpu.memory_space<vmem>>[vector<16xi32>, vector<16xi32>], vector<16xf32>,
        %parallel_loop3A_247 = arith.constant 7 : i32
        %parallel_loop3A_248 = arith.index_cast %parallel_loop3A_247 : i32 to index
        %parallel_loop3A_249 = arith.index_cast %parallel_loop3A_192 : i32 to index
        %parallel_loop3A_250 = tpu.vector_load %arg10[%parallel_loop3A_248, %parallel_loop3A_249] {strides = array<i32>} : memref<8x1024xf32, #tpu.memory_space<vmem>>, vector<16xf32>,
        tpu.vector_store %arg10[%parallel_loop3A_248, %parallel_loop3A_249], %parallel_loop3A_246 {strides = array<i32>} : memref<8x1024xf32, #tpu.memory_space<vmem>>, vector<16xf32>,
      } {sc.loop_unroll_factor = 4 : i64, sc.parallel_access}
      %add3A_70 = arith.constant 0 : i32
      %add3A_71 = arith.addi %mul3A_56, %add3A_70 : i32
      %mul3A_72 = arith.constant 8 : i32
      %mul3A_73 = arith.muli %add3A_71, %mul3A_72 : i32
      %add3A_74 = arith.addi %mul3A_2, %mul3A_73 : i32
      %dma_start3A_75 = arith.constant 0 : i32
      %dma_start3A_76 = tpu.memref_slice %arg4[%add3A_74, %dma_start3A_75] : memref<16384x1024xf32, #tpu.memory_space<hbm>> -> memref<8x1024xf32, #tpu.memory_space<hbm>>
      %dma_start3A_77 = arith.constant 0 : i32
      %dma_start3A_78 = tpu.memref_slice %arg4[%add3A_74, %dma_start3A_77] : memref<16384x1024xf32, #tpu.memory_space<hbm>> -> memref<8x1024xf32, #tpu.memory_space<hbm>>
      tpu.enqueue_dma source(%arg10 : memref<8x1024xf32, #tpu.memory_space<vmem>>) target(%dma_start3A_78 : memref<8x1024xf32, #tpu.memory_space<hbm>>) target_semaphore(%arg18 : memref<!tpu.dma_semaphore, #tpu.memory_space<semaphore_mem>>)
      %add3A_79 = arith.constant 4 : i32
      %add3A_80 = arith.addi %mul3A_56, %add3A_79 : i32
      %add3A_81 = arith.constant 0 : i32
      %add3A_82 = arith.addi %add3A_80, %add3A_81 : i32
      %lt3A = arith.constant 64 : i32
      %lt3A_83 = arith.cmpi slt, %add3A_82, %lt3A : i32
      %convert_element_type3A_84 = arith.extui %lt3A_83 : i1 to i32
      %cond3A_85 = arith.constant 0 : i32
      %cond3A_86 = arith.cmpi ne, %convert_element_type3A_84, %cond3A_85 : i32
      scf.if %cond3A_86 {
        %add3A_192 = arith.constant 4 : i32
        %add3A_193 = arith.addi %mul3A_56, %add3A_192 : i32
        %add3A_194 = arith.constant 0 : i32
        %add3A_195 = arith.addi %add3A_193, %add3A_194 : i32
        %mul3A_196 = arith.constant 8 : i32
        %mul3A_197 = arith.muli %add3A_195, %mul3A_196 : i32
        %add3A_198 = arith.addi %mul3A_2, %mul3A_197 : i32
        %dma_start3A_199 = arith.constant 0 : i32
        %dma_start3A_200 = tpu.memref_slice %arg2[%add3A_198, %dma_start3A_199] : memref<16384x2048xf32, #tpu.memory_space<hbm>> -> memref<8x2048xf32, #tpu.memory_space<hbm>>
        %dma_start3A_201 = arith.constant 0 : i32
        %dma_start3A_202 = tpu.memref_slice %arg2[%add3A_198, %dma_start3A_201] : memref<16384x2048xf32, #tpu.memory_space<hbm>> -> memref<8x2048xf32, #tpu.memory_space<hbm>>
        tpu.enqueue_dma source(%dma_start3A_202 : memref<8x2048xf32, #tpu.memory_space<hbm>>) target(%arg6 : memref<8x2048xf32, #tpu.memory_space<vmem>>) target_semaphore(%arg14 : memref<!tpu.dma_semaphore, #tpu.memory_space<semaphore_mem>>)
      } else {
      }
      %add3A_87 = arith.constant 1 : i32
      %add3A_88 = arith.addi %mul3A_56, %add3A_87 : i32
      %mul3A_89 = arith.constant 8 : i32
      %mul3A_90 = arith.muli %add3A_88, %mul3A_89 : i32
      %add3A_91 = arith.addi %mul3A_2, %mul3A_90 : i32
      %dma_wait3A_92 = arith.constant 0 : i32
      %dma_wait3A_93 = tpu.memref_slice %arg2[%add3A_91, %dma_wait3A_92] : memref<16384x2048xf32, #tpu.memory_space<hbm>> -> memref<8x2048xf32, #tpu.memory_space<hbm>>
      %dma_wait3A_94 = arith.constant 0 : i32
      %dma_wait3A_95 = tpu.memref_slice %arg2[%add3A_91, %dma_wait3A_94] : memref<16384x2048xf32, #tpu.memory_space<hbm>> -> memref<8x2048xf32, #tpu.memory_space<hbm>>
      tpu.wait_dma2 semaphore(%arg15 : memref<!tpu.dma_semaphore, #tpu.memory_space<semaphore_mem>>) src(%dma_wait3A_95 : memref<8x2048xf32, #tpu.memory_space<hbm>>) dst(%arg7 : memref<8x2048xf32, #tpu.memory_space<vmem>>)
      %gt3A_96 = arith.constant 0 : i32
      %gt3A_97 = arith.cmpi sgt, %mul3A_56, %gt3A_96 : i32
      %convert_element_type3A_98 = arith.extui %gt3A_97 : i1 to i32
      %cond3A_99 = arith.constant 0 : i32
      %cond3A_100 = arith.cmpi ne, %convert_element_type3A_98, %cond3A_99 : i32
      scf.if %cond3A_100 {
        %add3A_192 = arith.constant 1 : i32
        %add3A_193 = arith.addi %mul3A_56, %add3A_192 : i32
        %mul3A_194 = arith.constant 8 : i32
        %mul3A_195 = arith.muli %add3A_193, %mul3A_194 : i32
        %add3A_196 = arith.addi %mul3A_2, %mul3A_195 : i32
        %dma_wait3A_197 = arith.constant 0 : i32
        %dma_wait3A_198 = tpu.memref_slice %arg4[%add3A_196, %dma_wait3A_197] : memref<16384x1024xf32, #tpu.memory_space<hbm>> -> memref<8x1024xf32, #tpu.memory_space<hbm>>
        %dma_wait3A_199 = arith.constant 0 : i32
        %dma_wait3A_200 = tpu.memref_slice %arg4[%add3A_196, %dma_wait3A_199] : memref<16384x1024xf32, #tpu.memory_space<hbm>> -> memref<8x1024xf32, #tpu.memory_space<hbm>>
        tpu.wait_dma2 semaphore(%arg19 : memref<!tpu.dma_semaphore, #tpu.memory_space<semaphore_mem>>) src(%arg11 : memref<8x1024xf32, #tpu.memory_space<vmem>>) dst(%dma_wait3A_200 : memref<8x1024xf32, #tpu.memory_space<hbm>>)
      } else {
      }
      %parallel_loop3A_101 = arith.constant 0 : i32
      %parallel_loop3A_102 = arith.constant 1024 : i32
      %parallel_loop3A_103 = arith.constant 16 : i32
      scf.for %parallel_loop3A_192 = %parallel_loop3A_101 to %parallel_loop3A_102 step %parallel_loop3A_103  : i32 {
        %parallel_loop3A_193 = arith.index_cast %parallel_loop3A_192 : i32 to index
        %parallel_loop3A_194 = tpu.vector_load %arg5[%parallel_loop3A_193] {strides = array<i32>} : memref<1024xi32, #tpu.memory_space<vmem>>, vector<16xi32>,
        %parallel_loop3A_195 = arith.constant 0 : i32
        %parallel_loop3A_196 = vector.broadcast %parallel_loop3A_195 : i32 to vector<16xi32>
        %parallel_loop3A_197 = tpu.vector_load_idx %arg7[%parallel_loop3A_196, %parallel_loop3A_194] : memref<8x2048xf32, #tpu.memory_space<vmem>>[vector<16xi32>, vector<16xi32>], vector<16xf32>,
        %parallel_loop3A_198 = arith.constant 0 : i32
        %parallel_loop3A_199 = arith.index_cast %parallel_loop3A_198 : i32 to index
        %parallel_loop3A_200 = arith.index_cast %parallel_loop3A_192 : i32 to index
        %parallel_loop3A_201 = tpu.vector_load %arg11[%parallel_loop3A_199, %parallel_loop3A_200] {strides = array<i32>} : memref<8x1024xf32, #tpu.memory_space<vmem>>, vector<16xf32>,
        tpu.vector_store %arg11[%parallel_loop3A_199, %parallel_loop3A_200], %parallel_loop3A_197 {strides = array<i32>} : memref<8x1024xf32, #tpu.memory_space<vmem>>, vector<16xf32>,
        %parallel_loop3A_202 = arith.constant 1 : i32
        %parallel_loop3A_203 = vector.broadcast %parallel_loop3A_202 : i32 to vector<16xi32>
        %parallel_loop3A_204 = tpu.vector_load_idx %arg7[%parallel_loop3A_203, %parallel_loop3A_194] : memref<8x2048xf32, #tpu.memory_space<vmem>>[vector<16xi32>, vector<16xi32>], vector<16xf32>,
        %parallel_loop3A_205 = arith.constant 1 : i32
        %parallel_loop3A_206 = arith.index_cast %parallel_loop3A_205 : i32 to index
        %parallel_loop3A_207 = arith.index_cast %parallel_loop3A_192 : i32 to index
        %parallel_loop3A_208 = tpu.vector_load %arg11[%parallel_loop3A_206, %parallel_loop3A_207] {strides = array<i32>} : memref<8x1024xf32, #tpu.memory_space<vmem>>, vector<16xf32>,
        tpu.vector_store %arg11[%parallel_loop3A_206, %parallel_loop3A_207], %parallel_loop3A_204 {strides = array<i32>} : memref<8x1024xf32, #tpu.memory_space<vmem>>, vector<16xf32>,
        %parallel_loop3A_209 = arith.constant 2 : i32
        %parallel_loop3A_210 = vector.broadcast %parallel_loop3A_209 : i32 to vector<16xi32>
        %parallel_loop3A_211 = tpu.vector_load_idx %arg7[%parallel_loop3A_210, %parallel_loop3A_194] : memref<8x2048xf32, #tpu.memory_space<vmem>>[vector<16xi32>, vector<16xi32>], vector<16xf32>,
        %parallel_loop3A_212 = arith.constant 2 : i32
        %parallel_loop3A_213 = arith.index_cast %parallel_loop3A_212 : i32 to index
        %parallel_loop3A_214 = arith.index_cast %parallel_loop3A_192 : i32 to index
        %parallel_loop3A_215 = tpu.vector_load %arg11[%parallel_loop3A_213, %parallel_loop3A_214] {strides = array<i32>} : memref<8x1024xf32, #tpu.memory_space<vmem>>, vector<16xf32>,
        tpu.vector_store %arg11[%parallel_loop3A_213, %parallel_loop3A_214], %parallel_loop3A_211 {strides = array<i32>} : memref<8x1024xf32, #tpu.memory_space<vmem>>, vector<16xf32>,
        %parallel_loop3A_216 = arith.constant 3 : i32
        %parallel_loop3A_217 = vector.broadcast %parallel_loop3A_216 : i32 to vector<16xi32>
        %parallel_loop3A_218 = tpu.vector_load_idx %arg7[%parallel_loop3A_217, %parallel_loop3A_194] : memref<8x2048xf32, #tpu.memory_space<vmem>>[vector<16xi32>, vector<16xi32>], vector<16xf32>,
        %parallel_loop3A_219 = arith.constant 3 : i32
        %parallel_loop3A_220 = arith.index_cast %parallel_loop3A_219 : i32 to index
        %parallel_loop3A_221 = arith.index_cast %parallel_loop3A_192 : i32 to index
        %parallel_loop3A_222 = tpu.vector_load %arg11[%parallel_loop3A_220, %parallel_loop3A_221] {strides = array<i32>} : memref<8x1024xf32, #tpu.memory_space<vmem>>, vector<16xf32>,
        tpu.vector_store %arg11[%parallel_loop3A_220, %parallel_loop3A_221], %parallel_loop3A_218 {strides = array<i32>} : memref<8x1024xf32, #tpu.memory_space<vmem>>, vector<16xf32>,
        %parallel_loop3A_223 = arith.constant 4 : i32
        %parallel_loop3A_224 = vector.broadcast %parallel_loop3A_223 : i32 to vector<16xi32>
        %parallel_loop3A_225 = tpu.vector_load_idx %arg7[%parallel_loop3A_224, %parallel_loop3A_194] : memref<8x2048xf32, #tpu.memory_space<vmem>>[vector<16xi32>, vector<16xi32>], vector<16xf32>,
        %parallel_loop3A_226 = arith.constant 4 : i32
        %parallel_loop3A_227 = arith.index_cast %parallel_loop3A_226 : i32 to index
        %parallel_loop3A_228 = arith.index_cast %parallel_loop3A_192 : i32 to index
        %parallel_loop3A_229 = tpu.vector_load %arg11[%parallel_loop3A_227, %parallel_loop3A_228] {strides = array<i32>} : memref<8x1024xf32, #tpu.memory_space<vmem>>, vector<16xf32>,
        tpu.vector_store %arg11[%parallel_loop3A_227, %parallel_loop3A_228], %parallel_loop3A_225 {strides = array<i32>} : memref<8x1024xf32, #tpu.memory_space<vmem>>, vector<16xf32>,
        %parallel_loop3A_230 = arith.constant 5 : i32
        %parallel_loop3A_231 = vector.broadcast %parallel_loop3A_230 : i32 to vector<16xi32>
        %parallel_loop3A_232 = tpu.vector_load_idx %arg7[%parallel_loop3A_231, %parallel_loop3A_194] : memref<8x2048xf32, #tpu.memory_space<vmem>>[vector<16xi32>, vector<16xi32>], vector<16xf32>,
        %parallel_loop3A_233 = arith.constant 5 : i32
        %parallel_loop3A_234 = arith.index_cast %parallel_loop3A_233 : i32 to index
        %parallel_loop3A_235 = arith.index_cast %parallel_loop3A_192 : i32 to index
        %parallel_loop3A_236 = tpu.vector_load %arg11[%parallel_loop3A_234, %parallel_loop3A_235] {strides = array<i32>} : memref<8x1024xf32, #tpu.memory_space<vmem>>, vector<16xf32>,
        tpu.vector_store %arg11[%parallel_loop3A_234, %parallel_loop3A_235], %parallel_loop3A_232 {strides = array<i32>} : memref<8x1024xf32, #tpu.memory_space<vmem>>, vector<16xf32>,
        %parallel_loop3A_237 = arith.constant 6 : i32
        %parallel_loop3A_238 = vector.broadcast %parallel_loop3A_237 : i32 to vector<16xi32>
        %parallel_loop3A_239 = tpu.vector_load_idx %arg7[%parallel_loop3A_238, %parallel_loop3A_194] : memref<8x2048xf32, #tpu.memory_space<vmem>>[vector<16xi32>, vector<16xi32>], vector<16xf32>,
        %parallel_loop3A_240 = arith.constant 6 : i32
        %parallel_loop3A_241 = arith.index_cast %parallel_loop3A_240 : i32 to index
        %parallel_loop3A_242 = arith.index_cast %parallel_loop3A_192 : i32 to index
        %parallel_loop3A_243 = tpu.vector_load %arg11[%parallel_loop3A_241, %parallel_loop3A_242] {strides = array<i32>} : memref<8x1024xf32, #tpu.memory_space<vmem>>, vector<16xf32>,
        tpu.vector_store %arg11[%parallel_loop3A_241, %parallel_loop3A_242], %parallel_loop3A_239 {strides = array<i32>} : memref<8x1024xf32, #tpu.memory_space<vmem>>, vector<16xf32>,
        %parallel_loop3A_244 = arith.constant 7 : i32
        %parallel_loop3A_245 = vector.broadcast %parallel_loop3A_244 : i32 to vector<16xi32>
        %parallel_loop3A_246 = tpu.vector_load_idx %arg7[%parallel_loop3A_245, %parallel_loop3A_194] : memref<8x2048xf32, #tpu.memory_space<vmem>>[vector<16xi32>, vector<16xi32>], vector<16xf32>,
        %parallel_loop3A_247 = arith.constant 7 : i32
        %parallel_loop3A_248 = arith.index_cast %parallel_loop3A_247 : i32 to index
        %parallel_loop3A_249 = arith.index_cast %parallel_loop3A_192 : i32 to index
        %parallel_loop3A_250 = tpu.vector_load %arg11[%parallel_loop3A_248, %parallel_loop3A_249] {strides = array<i32>} : memref<8x1024xf32, #tpu.memory_space<vmem>>, vector<16xf32>,
        tpu.vector_store %arg11[%parallel_loop3A_248, %parallel_loop3A_249], %parallel_loop3A_246 {strides = array<i32>} : memref<8x1024xf32, #tpu.memory_space<vmem>>, vector<16xf32>,
      } {sc.loop_unroll_factor = 4 : i64, sc.parallel_access}
      %add3A_104 = arith.constant 1 : i32
      %add3A_105 = arith.addi %mul3A_56, %add3A_104 : i32
      %mul3A_106 = arith.constant 8 : i32
      %mul3A_107 = arith.muli %add3A_105, %mul3A_106 : i32
      %add3A_108 = arith.addi %mul3A_2, %mul3A_107 : i32
      %dma_start3A_109 = arith.constant 0 : i32
      %dma_start3A_110 = tpu.memref_slice %arg4[%add3A_108, %dma_start3A_109] : memref<16384x1024xf32, #tpu.memory_space<hbm>> -> memref<8x1024xf32, #tpu.memory_space<hbm>>
      %dma_start3A_111 = arith.constant 0 : i32
      %dma_start3A_112 = tpu.memref_slice %arg4[%add3A_108, %dma_start3A_111] : memref<16384x1024xf32, #tpu.memory_space<hbm>> -> memref<8x1024xf32, #tpu.memory_space<hbm>>
      tpu.enqueue_dma source(%arg11 : memref<8x1024xf32, #tpu.memory_space<vmem>>) target(%dma_start3A_112 : memref<8x1024xf32, #tpu.memory_space<hbm>>) target_semaphore(%arg19 : memref<!tpu.dma_semaphore, #tpu.memory_space<semaphore_mem>>)
      %add3A_113 = arith.constant 4 : i32
      %add3A_114 = arith.addi %mul3A_56, %add3A_113 : i32
      %add3A_115 = arith.constant 1 : i32
      %add3A_116 = arith.addi %add3A_114, %add3A_115 : i32
      %lt3A_117 = arith.constant 64 : i32
      %lt3A_118 = arith.cmpi slt, %add3A_116, %lt3A_117 : i32
      %convert_element_type3A_119 = arith.extui %lt3A_118 : i1 to i32
      %cond3A_120 = arith.constant 0 : i32
      %cond3A_121 = arith.cmpi ne, %convert_element_type3A_119, %cond3A_120 : i32
      scf.if %cond3A_121 {
        %add3A_192 = arith.constant 4 : i32
        %add3A_193 = arith.addi %mul3A_56, %add3A_192 : i32
        %add3A_194 = arith.constant 1 : i32
        %add3A_195 = arith.addi %add3A_193, %add3A_194 : i32
        %mul3A_196 = arith.constant 8 : i32
        %mul3A_197 = arith.muli %add3A_195, %mul3A_196 : i32
        %add3A_198 = arith.addi %mul3A_2, %mul3A_197 : i32
        %dma_start3A_199 = arith.constant 0 : i32
        %dma_start3A_200 = tpu.memref_slice %arg2[%add3A_198, %dma_start3A_199] : memref<16384x2048xf32, #tpu.memory_space<hbm>> -> memref<8x2048xf32, #tpu.memory_space<hbm>>
        %dma_start3A_201 = arith.constant 0 : i32
        %dma_start3A_202 = tpu.memref_slice %arg2[%add3A_198, %dma_start3A_201] : memref<16384x2048xf32, #tpu.memory_space<hbm>> -> memref<8x2048xf32, #tpu.memory_space<hbm>>
        tpu.enqueue_dma source(%dma_start3A_202 : memref<8x2048xf32, #tpu.memory_space<hbm>>) target(%arg7 : memref<8x2048xf32, #tpu.memory_space<vmem>>) target_semaphore(%arg15 : memref<!tpu.dma_semaphore, #tpu.memory_space<semaphore_mem>>)
      } else {
      }
      %add3A_122 = arith.constant 2 : i32
      %add3A_123 = arith.addi %mul3A_56, %add3A_122 : i32
      %mul3A_124 = arith.constant 8 : i32
      %mul3A_125 = arith.muli %add3A_123, %mul3A_124 : i32
      %add3A_126 = arith.addi %mul3A_2, %mul3A_125 : i32
      %dma_wait3A_127 = arith.constant 0 : i32
      %dma_wait3A_128 = tpu.memref_slice %arg2[%add3A_126, %dma_wait3A_127] : memref<16384x2048xf32, #tpu.memory_space<hbm>> -> memref<8x2048xf32, #tpu.memory_space<hbm>>
      %dma_wait3A_129 = arith.constant 0 : i32
      %dma_wait3A_130 = tpu.memref_slice %arg2[%add3A_126, %dma_wait3A_129] : memref<16384x2048xf32, #tpu.memory_space<hbm>> -> memref<8x2048xf32, #tpu.memory_space<hbm>>
      tpu.wait_dma2 semaphore(%arg16 : memref<!tpu.dma_semaphore, #tpu.memory_space<semaphore_mem>>) src(%dma_wait3A_130 : memref<8x2048xf32, #tpu.memory_space<hbm>>) dst(%arg8 : memref<8x2048xf32, #tpu.memory_space<vmem>>)
      %gt3A_131 = arith.constant 0 : i32
      %gt3A_132 = arith.cmpi sgt, %mul3A_56, %gt3A_131 : i32
      %convert_element_type3A_133 = arith.extui %gt3A_132 : i1 to i32
      %cond3A_134 = arith.constant 0 : i32
      %cond3A_135 = arith.cmpi ne, %convert_element_type3A_133, %cond3A_134 : i32
      scf.if %cond3A_135 {
        %add3A_192 = arith.constant 2 : i32
        %add3A_193 = arith.addi %mul3A_56, %add3A_192 : i32
        %mul3A_194 = arith.constant 8 : i32
        %mul3A_195 = arith.muli %add3A_193, %mul3A_194 : i32
        %add3A_196 = arith.addi %mul3A_2, %mul3A_195 : i32
        %dma_wait3A_197 = arith.constant 0 : i32
        %dma_wait3A_198 = tpu.memref_slice %arg4[%add3A_196, %dma_wait3A_197] : memref<16384x1024xf32, #tpu.memory_space<hbm>> -> memref<8x1024xf32, #tpu.memory_space<hbm>>
        %dma_wait3A_199 = arith.constant 0 : i32
        %dma_wait3A_200 = tpu.memref_slice %arg4[%add3A_196, %dma_wait3A_199] : memref<16384x1024xf32, #tpu.memory_space<hbm>> -> memref<8x1024xf32, #tpu.memory_space<hbm>>
        tpu.wait_dma2 semaphore(%arg20 : memref<!tpu.dma_semaphore, #tpu.memory_space<semaphore_mem>>) src(%arg12 : memref<8x1024xf32, #tpu.memory_space<vmem>>) dst(%dma_wait3A_200 : memref<8x1024xf32, #tpu.memory_space<hbm>>)
      } else {
      }
      %parallel_loop3A_136 = arith.constant 0 : i32
      %parallel_loop3A_137 = arith.constant 1024 : i32
      %parallel_loop3A_138 = arith.constant 16 : i32
      scf.for %parallel_loop3A_192 = %parallel_loop3A_136 to %parallel_loop3A_137 step %parallel_loop3A_138  : i32 {
        %parallel_loop3A_193 = arith.index_cast %parallel_loop3A_192 : i32 to index
        %parallel_loop3A_194 = tpu.vector_load %arg5[%parallel_loop3A_193] {strides = array<i32>} : memref<1024xi32, #tpu.memory_space<vmem>>, vector<16xi32>,
        %parallel_loop3A_195 = arith.constant 0 : i32
        %parallel_loop3A_196 = vector.broadcast %parallel_loop3A_195 : i32 to vector<16xi32>
        %parallel_loop3A_197 = tpu.vector_load_idx %arg8[%parallel_loop3A_196, %parallel_loop3A_194] : memref<8x2048xf32, #tpu.memory_space<vmem>>[vector<16xi32>, vector<16xi32>], vector<16xf32>,
        %parallel_loop3A_198 = arith.constant 0 : i32
        %parallel_loop3A_199 = arith.index_cast %parallel_loop3A_198 : i32 to index
        %parallel_loop3A_200 = arith.index_cast %parallel_loop3A_192 : i32 to index
        %parallel_loop3A_201 = tpu.vector_load %arg12[%parallel_loop3A_199, %parallel_loop3A_200] {strides = array<i32>} : memref<8x1024xf32, #tpu.memory_space<vmem>>, vector<16xf32>,
        tpu.vector_store %arg12[%parallel_loop3A_199, %parallel_loop3A_200], %parallel_loop3A_197 {strides = array<i32>} : memref<8x1024xf32, #tpu.memory_space<vmem>>, vector<16xf32>,
        %parallel_loop3A_202 = arith.constant 1 : i32
        %parallel_loop3A_203 = vector.broadcast %parallel_loop3A_202 : i32 to vector<16xi32>
        %parallel_loop3A_204 = tpu.vector_load_idx %arg8[%parallel_loop3A_203, %parallel_loop3A_194] : memref<8x2048xf32, #tpu.memory_space<vmem>>[vector<16xi32>, vector<16xi32>], vector<16xf32>,
        %parallel_loop3A_205 = arith.constant 1 : i32
        %parallel_loop3A_206 = arith.index_cast %parallel_loop3A_205 : i32 to index
        %parallel_loop3A_207 = arith.index_cast %parallel_loop3A_192 : i32 to index
        %parallel_loop3A_208 = tpu.vector_load %arg12[%parallel_loop3A_206, %parallel_loop3A_207] {strides = array<i32>} : memref<8x1024xf32, #tpu.memory_space<vmem>>, vector<16xf32>,
        tpu.vector_store %arg12[%parallel_loop3A_206, %parallel_loop3A_207], %parallel_loop3A_204 {strides = array<i32>} : memref<8x1024xf32, #tpu.memory_space<vmem>>, vector<16xf32>,
        %parallel_loop3A_209 = arith.constant 2 : i32
        %parallel_loop3A_210 = vector.broadcast %parallel_loop3A_209 : i32 to vector<16xi32>
        %parallel_loop3A_211 = tpu.vector_load_idx %arg8[%parallel_loop3A_210, %parallel_loop3A_194] : memref<8x2048xf32, #tpu.memory_space<vmem>>[vector<16xi32>, vector<16xi32>], vector<16xf32>,
        %parallel_loop3A_212 = arith.constant 2 : i32
        %parallel_loop3A_213 = arith.index_cast %parallel_loop3A_212 : i32 to index
        %parallel_loop3A_214 = arith.index_cast %parallel_loop3A_192 : i32 to index
        %parallel_loop3A_215 = tpu.vector_load %arg12[%parallel_loop3A_213, %parallel_loop3A_214] {strides = array<i32>} : memref<8x1024xf32, #tpu.memory_space<vmem>>, vector<16xf32>,
        tpu.vector_store %arg12[%parallel_loop3A_213, %parallel_loop3A_214], %parallel_loop3A_211 {strides = array<i32>} : memref<8x1024xf32, #tpu.memory_space<vmem>>, vector<16xf32>,
        %parallel_loop3A_216 = arith.constant 3 : i32
        %parallel_loop3A_217 = vector.broadcast %parallel_loop3A_216 : i32 to vector<16xi32>
        %parallel_loop3A_218 = tpu.vector_load_idx %arg8[%parallel_loop3A_217, %parallel_loop3A_194] : memref<8x2048xf32, #tpu.memory_space<vmem>>[vector<16xi32>, vector<16xi32>], vector<16xf32>,
        %parallel_loop3A_219 = arith.constant 3 : i32
        %parallel_loop3A_220 = arith.index_cast %parallel_loop3A_219 : i32 to index
        %parallel_loop3A_221 = arith.index_cast %parallel_loop3A_192 : i32 to index
        %parallel_loop3A_222 = tpu.vector_load %arg12[%parallel_loop3A_220, %parallel_loop3A_221] {strides = array<i32>} : memref<8x1024xf32, #tpu.memory_space<vmem>>, vector<16xf32>,
        tpu.vector_store %arg12[%parallel_loop3A_220, %parallel_loop3A_221], %parallel_loop3A_218 {strides = array<i32>} : memref<8x1024xf32, #tpu.memory_space<vmem>>, vector<16xf32>,
        %parallel_loop3A_223 = arith.constant 4 : i32
        %parallel_loop3A_224 = vector.broadcast %parallel_loop3A_223 : i32 to vector<16xi32>
        %parallel_loop3A_225 = tpu.vector_load_idx %arg8[%parallel_loop3A_224, %parallel_loop3A_194] : memref<8x2048xf32, #tpu.memory_space<vmem>>[vector<16xi32>, vector<16xi32>], vector<16xf32>,
        %parallel_loop3A_226 = arith.constant 4 : i32
        %parallel_loop3A_227 = arith.index_cast %parallel_loop3A_226 : i32 to index
        %parallel_loop3A_228 = arith.index_cast %parallel_loop3A_192 : i32 to index
        %parallel_loop3A_229 = tpu.vector_load %arg12[%parallel_loop3A_227, %parallel_loop3A_228] {strides = array<i32>} : memref<8x1024xf32, #tpu.memory_space<vmem>>, vector<16xf32>,
        tpu.vector_store %arg12[%parallel_loop3A_227, %parallel_loop3A_228], %parallel_loop3A_225 {strides = array<i32>} : memref<8x1024xf32, #tpu.memory_space<vmem>>, vector<16xf32>,
        %parallel_loop3A_230 = arith.constant 5 : i32
        %parallel_loop3A_231 = vector.broadcast %parallel_loop3A_230 : i32 to vector<16xi32>
        %parallel_loop3A_232 = tpu.vector_load_idx %arg8[%parallel_loop3A_231, %parallel_loop3A_194] : memref<8x2048xf32, #tpu.memory_space<vmem>>[vector<16xi32>, vector<16xi32>], vector<16xf32>,
        %parallel_loop3A_233 = arith.constant 5 : i32
        %parallel_loop3A_234 = arith.index_cast %parallel_loop3A_233 : i32 to index
        %parallel_loop3A_235 = arith.index_cast %parallel_loop3A_192 : i32 to index
        %parallel_loop3A_236 = tpu.vector_load %arg12[%parallel_loop3A_234, %parallel_loop3A_235] {strides = array<i32>} : memref<8x1024xf32, #tpu.memory_space<vmem>>, vector<16xf32>,
        tpu.vector_store %arg12[%parallel_loop3A_234, %parallel_loop3A_235], %parallel_loop3A_232 {strides = array<i32>} : memref<8x1024xf32, #tpu.memory_space<vmem>>, vector<16xf32>,
        %parallel_loop3A_237 = arith.constant 6 : i32
        %parallel_loop3A_238 = vector.broadcast %parallel_loop3A_237 : i32 to vector<16xi32>
        %parallel_loop3A_239 = tpu.vector_load_idx %arg8[%parallel_loop3A_238, %parallel_loop3A_194] : memref<8x2048xf32, #tpu.memory_space<vmem>>[vector<16xi32>, vector<16xi32>], vector<16xf32>,
        %parallel_loop3A_240 = arith.constant 6 : i32
        %parallel_loop3A_241 = arith.index_cast %parallel_loop3A_240 : i32 to index
        %parallel_loop3A_242 = arith.index_cast %parallel_loop3A_192 : i32 to index
        %parallel_loop3A_243 = tpu.vector_load %arg12[%parallel_loop3A_241, %parallel_loop3A_242] {strides = array<i32>} : memref<8x1024xf32, #tpu.memory_space<vmem>>, vector<16xf32>,
        tpu.vector_store %arg12[%parallel_loop3A_241, %parallel_loop3A_242], %parallel_loop3A_239 {strides = array<i32>} : memref<8x1024xf32, #tpu.memory_space<vmem>>, vector<16xf32>,
        %parallel_loop3A_244 = arith.constant 7 : i32
        %parallel_loop3A_245 = vector.broadcast %parallel_loop3A_244 : i32 to vector<16xi32>
        %parallel_loop3A_246 = tpu.vector_load_idx %arg8[%parallel_loop3A_245, %parallel_loop3A_194] : memref<8x2048xf32, #tpu.memory_space<vmem>>[vector<16xi32>, vector<16xi32>], vector<16xf32>,
        %parallel_loop3A_247 = arith.constant 7 : i32
        %parallel_loop3A_248 = arith.index_cast %parallel_loop3A_247 : i32 to index
        %parallel_loop3A_249 = arith.index_cast %parallel_loop3A_192 : i32 to index
        %parallel_loop3A_250 = tpu.vector_load %arg12[%parallel_loop3A_248, %parallel_loop3A_249] {strides = array<i32>} : memref<8x1024xf32, #tpu.memory_space<vmem>>, vector<16xf32>,
        tpu.vector_store %arg12[%parallel_loop3A_248, %parallel_loop3A_249], %parallel_loop3A_246 {strides = array<i32>} : memref<8x1024xf32, #tpu.memory_space<vmem>>, vector<16xf32>,
      } {sc.loop_unroll_factor = 4 : i64, sc.parallel_access}
      %add3A_139 = arith.constant 2 : i32
      %add3A_140 = arith.addi %mul3A_56, %add3A_139 : i32
      %mul3A_141 = arith.constant 8 : i32
      %mul3A_142 = arith.muli %add3A_140, %mul3A_141 : i32
      %add3A_143 = arith.addi %mul3A_2, %mul3A_142 : i32
      %dma_start3A_144 = arith.constant 0 : i32
      %dma_start3A_145 = tpu.memref_slice %arg4[%add3A_143, %dma_start3A_144] : memref<16384x1024xf32, #tpu.memory_space<hbm>> -> memref<8x1024xf32, #tpu.memory_space<hbm>>
      %dma_start3A_146 = arith.constant 0 : i32
      %dma_start3A_147 = tpu.memref_slice %arg4[%add3A_143, %dma_start3A_146] : memref<16384x1024xf32, #tpu.memory_space<hbm>> -> memref<8x1024xf32, #tpu.memory_space<hbm>>
      tpu.enqueue_dma source(%arg12 : memref<8x1024xf32, #tpu.memory_space<vmem>>) target(%dma_start3A_147 : memref<8x1024xf32, #tpu.memory_space<hbm>>) target_semaphore(%arg20 : memref<!tpu.dma_semaphore, #tpu.memory_space<semaphore_mem>>)
      %add3A_148 = arith.constant 4 : i32
      %add3A_149 = arith.addi %mul3A_56, %add3A_148 : i32
      %add3A_150 = arith.constant 2 : i32
      %add3A_151 = arith.addi %add3A_149, %add3A_150 : i32
      %lt3A_152 = arith.constant 64 : i32
      %lt3A_153 = arith.cmpi slt, %add3A_151, %lt3A_152 : i32
      %convert_element_type3A_154 = arith.extui %lt3A_153 : i1 to i32
      %cond3A_155 = arith.constant 0 : i32
      %cond3A_156 = arith.cmpi ne, %convert_element_type3A_154, %cond3A_155 : i32
      scf.if %cond3A_156 {
        %add3A_192 = arith.constant 4 : i32
        %add3A_193 = arith.addi %mul3A_56, %add3A_192 : i32
        %add3A_194 = arith.constant 2 : i32
        %add3A_195 = arith.addi %add3A_193, %add3A_194 : i32
        %mul3A_196 = arith.constant 8 : i32
        %mul3A_197 = arith.muli %add3A_195, %mul3A_196 : i32
        %add3A_198 = arith.addi %mul3A_2, %mul3A_197 : i32
        %dma_start3A_199 = arith.constant 0 : i32
        %dma_start3A_200 = tpu.memref_slice %arg2[%add3A_198, %dma_start3A_199] : memref<16384x2048xf32, #tpu.memory_space<hbm>> -> memref<8x2048xf32, #tpu.memory_space<hbm>>
        %dma_start3A_201 = arith.constant 0 : i32
        %dma_start3A_202 = tpu.memref_slice %arg2[%add3A_198, %dma_start3A_201] : memref<16384x2048xf32, #tpu.memory_space<hbm>> -> memref<8x2048xf32, #tpu.memory_space<hbm>>
        tpu.enqueue_dma source(%dma_start3A_202 : memref<8x2048xf32, #tpu.memory_space<hbm>>) target(%arg8 : memref<8x2048xf32, #tpu.memory_space<vmem>>) target_semaphore(%arg16 : memref<!tpu.dma_semaphore, #tpu.memory_space<semaphore_mem>>)
      } else {
      }
      %add3A_157 = arith.constant 3 : i32
      %add3A_158 = arith.addi %mul3A_56, %add3A_157 : i32
      %mul3A_159 = arith.constant 8 : i32
      %mul3A_160 = arith.muli %add3A_158, %mul3A_159 : i32
      %add3A_161 = arith.addi %mul3A_2, %mul3A_160 : i32
      %dma_wait3A_162 = arith.constant 0 : i32
      %dma_wait3A_163 = tpu.memref_slice %arg2[%add3A_161, %dma_wait3A_162] : memref<16384x2048xf32, #tpu.memory_space<hbm>> -> memref<8x2048xf32, #tpu.memory_space<hbm>>
      %dma_wait3A_164 = arith.constant 0 : i32
      %dma_wait3A_165 = tpu.memref_slice %arg2[%add3A_161, %dma_wait3A_164] : memref<16384x2048xf32, #tpu.memory_space<hbm>> -> memref<8x2048xf32, #tpu.memory_space<hbm>>
      tpu.wait_dma2 semaphore(%arg17 : memref<!tpu.dma_semaphore, #tpu.memory_space<semaphore_mem>>) src(%dma_wait3A_165 : memref<8x2048xf32, #tpu.memory_space<hbm>>) dst(%arg9 : memref<8x2048xf32, #tpu.memory_space<vmem>>)
      %gt3A_166 = arith.constant 0 : i32
      %gt3A_167 = arith.cmpi sgt, %mul3A_56, %gt3A_166 : i32
      %convert_element_type3A_168 = arith.extui %gt3A_167 : i1 to i32
      %cond3A_169 = arith.constant 0 : i32
      %cond3A_170 = arith.cmpi ne, %convert_element_type3A_168, %cond3A_169 : i32
      scf.if %cond3A_170 {
        %add3A_192 = arith.constant 3 : i32
        %add3A_193 = arith.addi %mul3A_56, %add3A_192 : i32
        %mul3A_194 = arith.constant 8 : i32
        %mul3A_195 = arith.muli %add3A_193, %mul3A_194 : i32
        %add3A_196 = arith.addi %mul3A_2, %mul3A_195 : i32
        %dma_wait3A_197 = arith.constant 0 : i32
        %dma_wait3A_198 = tpu.memref_slice %arg4[%add3A_196, %dma_wait3A_197] : memref<16384x1024xf32, #tpu.memory_space<hbm>> -> memref<8x1024xf32, #tpu.memory_space<hbm>>
        %dma_wait3A_199 = arith.constant 0 : i32
        %dma_wait3A_200 = tpu.memref_slice %arg4[%add3A_196, %dma_wait3A_199] : memref<16384x1024xf32, #tpu.memory_space<hbm>> -> memref<8x1024xf32, #tpu.memory_space<hbm>>
        tpu.wait_dma2 semaphore(%arg21 : memref<!tpu.dma_semaphore, #tpu.memory_space<semaphore_mem>>) src(%arg13 : memref<8x1024xf32, #tpu.memory_space<vmem>>) dst(%dma_wait3A_200 : memref<8x1024xf32, #tpu.memory_space<hbm>>)
      } else {
      }
      %parallel_loop3A_171 = arith.constant 0 : i32
      %parallel_loop3A_172 = arith.constant 1024 : i32
      %parallel_loop3A_173 = arith.constant 16 : i32
      scf.for %parallel_loop3A_192 = %parallel_loop3A_171 to %parallel_loop3A_172 step %parallel_loop3A_173  : i32 {
        %parallel_loop3A_193 = arith.index_cast %parallel_loop3A_192 : i32 to index
        %parallel_loop3A_194 = tpu.vector_load %arg5[%parallel_loop3A_193] {strides = array<i32>} : memref<1024xi32, #tpu.memory_space<vmem>>, vector<16xi32>,
        %parallel_loop3A_195 = arith.constant 0 : i32
        %parallel_loop3A_196 = vector.broadcast %parallel_loop3A_195 : i32 to vector<16xi32>
        %parallel_loop3A_197 = tpu.vector_load_idx %arg9[%parallel_loop3A_196, %parallel_loop3A_194] : memref<8x2048xf32, #tpu.memory_space<vmem>>[vector<16xi32>, vector<16xi32>], vector<16xf32>,
        %parallel_loop3A_198 = arith.constant 0 : i32
        %parallel_loop3A_199 = arith.index_cast %parallel_loop3A_198 : i32 to index
        %parallel_loop3A_200 = arith.index_cast %parallel_loop3A_192 : i32 to index
        %parallel_loop3A_201 = tpu.vector_load %arg13[%parallel_loop3A_199, %parallel_loop3A_200] {strides = array<i32>} : memref<8x1024xf32, #tpu.memory_space<vmem>>, vector<16xf32>,
        tpu.vector_store %arg13[%parallel_loop3A_199, %parallel_loop3A_200], %parallel_loop3A_197 {strides = array<i32>} : memref<8x1024xf32, #tpu.memory_space<vmem>>, vector<16xf32>,
        %parallel_loop3A_202 = arith.constant 1 : i32
        %parallel_loop3A_203 = vector.broadcast %parallel_loop3A_202 : i32 to vector<16xi32>
        %parallel_loop3A_204 = tpu.vector_load_idx %arg9[%parallel_loop3A_203, %parallel_loop3A_194] : memref<8x2048xf32, #tpu.memory_space<vmem>>[vector<16xi32>, vector<16xi32>], vector<16xf32>,
        %parallel_loop3A_205 = arith.constant 1 : i32
        %parallel_loop3A_206 = arith.index_cast %parallel_loop3A_205 : i32 to index
        %parallel_loop3A_207 = arith.index_cast %parallel_loop3A_192 : i32 to index
        %parallel_loop3A_208 = tpu.vector_load %arg13[%parallel_loop3A_206, %parallel_loop3A_207] {strides = array<i32>} : memref<8x1024xf32, #tpu.memory_space<vmem>>, vector<16xf32>,
        tpu.vector_store %arg13[%parallel_loop3A_206, %parallel_loop3A_207], %parallel_loop3A_204 {strides = array<i32>} : memref<8x1024xf32, #tpu.memory_space<vmem>>, vector<16xf32>,
        %parallel_loop3A_209 = arith.constant 2 : i32
        %parallel_loop3A_210 = vector.broadcast %parallel_loop3A_209 : i32 to vector<16xi32>
        %parallel_loop3A_211 = tpu.vector_load_idx %arg9[%parallel_loop3A_210, %parallel_loop3A_194] : memref<8x2048xf32, #tpu.memory_space<vmem>>[vector<16xi32>, vector<16xi32>], vector<16xf32>,
        %parallel_loop3A_212 = arith.constant 2 : i32
        %parallel_loop3A_213 = arith.index_cast %parallel_loop3A_212 : i32 to index
        %parallel_loop3A_214 = arith.index_cast %parallel_loop3A_192 : i32 to index
        %parallel_loop3A_215 = tpu.vector_load %arg13[%parallel_loop3A_213, %parallel_loop3A_214] {strides = array<i32>} : memref<8x1024xf32, #tpu.memory_space<vmem>>, vector<16xf32>,
        tpu.vector_store %arg13[%parallel_loop3A_213, %parallel_loop3A_214], %parallel_loop3A_211 {strides = array<i32>} : memref<8x1024xf32, #tpu.memory_space<vmem>>, vector<16xf32>,
        %parallel_loop3A_216 = arith.constant 3 : i32
        %parallel_loop3A_217 = vector.broadcast %parallel_loop3A_216 : i32 to vector<16xi32>
        %parallel_loop3A_218 = tpu.vector_load_idx %arg9[%parallel_loop3A_217, %parallel_loop3A_194] : memref<8x2048xf32, #tpu.memory_space<vmem>>[vector<16xi32>, vector<16xi32>], vector<16xf32>,
        %parallel_loop3A_219 = arith.constant 3 : i32
        %parallel_loop3A_220 = arith.index_cast %parallel_loop3A_219 : i32 to index
        %parallel_loop3A_221 = arith.index_cast %parallel_loop3A_192 : i32 to index
        %parallel_loop3A_222 = tpu.vector_load %arg13[%parallel_loop3A_220, %parallel_loop3A_221] {strides = array<i32>} : memref<8x1024xf32, #tpu.memory_space<vmem>>, vector<16xf32>,
        tpu.vector_store %arg13[%parallel_loop3A_220, %parallel_loop3A_221], %parallel_loop3A_218 {strides = array<i32>} : memref<8x1024xf32, #tpu.memory_space<vmem>>, vector<16xf32>,
        %parallel_loop3A_223 = arith.constant 4 : i32
        %parallel_loop3A_224 = vector.broadcast %parallel_loop3A_223 : i32 to vector<16xi32>
        %parallel_loop3A_225 = tpu.vector_load_idx %arg9[%parallel_loop3A_224, %parallel_loop3A_194] : memref<8x2048xf32, #tpu.memory_space<vmem>>[vector<16xi32>, vector<16xi32>], vector<16xf32>,
        %parallel_loop3A_226 = arith.constant 4 : i32
        %parallel_loop3A_227 = arith.index_cast %parallel_loop3A_226 : i32 to index
        %parallel_loop3A_228 = arith.index_cast %parallel_loop3A_192 : i32 to index
        %parallel_loop3A_229 = tpu.vector_load %arg13[%parallel_loop3A_227, %parallel_loop3A_228] {strides = array<i32>} : memref<8x1024xf32, #tpu.memory_space<vmem>>, vector<16xf32>,
        tpu.vector_store %arg13[%parallel_loop3A_227, %parallel_loop3A_228], %parallel_loop3A_225 {strides = array<i32>} : memref<8x1024xf32, #tpu.memory_space<vmem>>, vector<16xf32>,
        %parallel_loop3A_230 = arith.constant 5 : i32
        %parallel_loop3A_231 = vector.broadcast %parallel_loop3A_230 : i32 to vector<16xi32>
        %parallel_loop3A_232 = tpu.vector_load_idx %arg9[%parallel_loop3A_231, %parallel_loop3A_194] : memref<8x2048xf32, #tpu.memory_space<vmem>>[vector<16xi32>, vector<16xi32>], vector<16xf32>,
        %parallel_loop3A_233 = arith.constant 5 : i32
        %parallel_loop3A_234 = arith.index_cast %parallel_loop3A_233 : i32 to index
        %parallel_loop3A_235 = arith.index_cast %parallel_loop3A_192 : i32 to index
        %parallel_loop3A_236 = tpu.vector_load %arg13[%parallel_loop3A_234, %parallel_loop3A_235] {strides = array<i32>} : memref<8x1024xf32, #tpu.memory_space<vmem>>, vector<16xf32>,
        tpu.vector_store %arg13[%parallel_loop3A_234, %parallel_loop3A_235], %parallel_loop3A_232 {strides = array<i32>} : memref<8x1024xf32, #tpu.memory_space<vmem>>, vector<16xf32>,
        %parallel_loop3A_237 = arith.constant 6 : i32
        %parallel_loop3A_238 = vector.broadcast %parallel_loop3A_237 : i32 to vector<16xi32>
        %parallel_loop3A_239 = tpu.vector_load_idx %arg9[%parallel_loop3A_238, %parallel_loop3A_194] : memref<8x2048xf32, #tpu.memory_space<vmem>>[vector<16xi32>, vector<16xi32>], vector<16xf32>,
        %parallel_loop3A_240 = arith.constant 6 : i32
        %parallel_loop3A_241 = arith.index_cast %parallel_loop3A_240 : i32 to index
        %parallel_loop3A_242 = arith.index_cast %parallel_loop3A_192 : i32 to index
        %parallel_loop3A_243 = tpu.vector_load %arg13[%parallel_loop3A_241, %parallel_loop3A_242] {strides = array<i32>} : memref<8x1024xf32, #tpu.memory_space<vmem>>, vector<16xf32>,
        tpu.vector_store %arg13[%parallel_loop3A_241, %parallel_loop3A_242], %parallel_loop3A_239 {strides = array<i32>} : memref<8x1024xf32, #tpu.memory_space<vmem>>, vector<16xf32>,
        %parallel_loop3A_244 = arith.constant 7 : i32
        %parallel_loop3A_245 = vector.broadcast %parallel_loop3A_244 : i32 to vector<16xi32>
        %parallel_loop3A_246 = tpu.vector_load_idx %arg9[%parallel_loop3A_245, %parallel_loop3A_194] : memref<8x2048xf32, #tpu.memory_space<vmem>>[vector<16xi32>, vector<16xi32>], vector<16xf32>,
        %parallel_loop3A_247 = arith.constant 7 : i32
        %parallel_loop3A_248 = arith.index_cast %parallel_loop3A_247 : i32 to index
        %parallel_loop3A_249 = arith.index_cast %parallel_loop3A_192 : i32 to index
        %parallel_loop3A_250 = tpu.vector_load %arg13[%parallel_loop3A_248, %parallel_loop3A_249] {strides = array<i32>} : memref<8x1024xf32, #tpu.memory_space<vmem>>, vector<16xf32>,
        tpu.vector_store %arg13[%parallel_loop3A_248, %parallel_loop3A_249], %parallel_loop3A_246 {strides = array<i32>} : memref<8x1024xf32, #tpu.memory_space<vmem>>, vector<16xf32>,
      } {sc.loop_unroll_factor = 4 : i64, sc.parallel_access}
      %add3A_174 = arith.constant 3 : i32
      %add3A_175 = arith.addi %mul3A_56, %add3A_174 : i32
      %mul3A_176 = arith.constant 8 : i32
      %mul3A_177 = arith.muli %add3A_175, %mul3A_176 : i32
      %add3A_178 = arith.addi %mul3A_2, %mul3A_177 : i32
      %dma_start3A_179 = arith.constant 0 : i32
      %dma_start3A_180 = tpu.memref_slice %arg4[%add3A_178, %dma_start3A_179] : memref<16384x1024xf32, #tpu.memory_space<hbm>> -> memref<8x1024xf32, #tpu.memory_space<hbm>>
      %dma_start3A_181 = arith.constant 0 : i32
      %dma_start3A_182 = tpu.memref_slice %arg4[%add3A_178, %dma_start3A_181] : memref<16384x1024xf32, #tpu.memory_space<hbm>> -> memref<8x1024xf32, #tpu.memory_space<hbm>>
      tpu.enqueue_dma source(%arg13 : memref<8x1024xf32, #tpu.memory_space<vmem>>) target(%dma_start3A_182 : memref<8x1024xf32, #tpu.memory_space<hbm>>) target_semaphore(%arg21 : memref<!tpu.dma_semaphore, #tpu.memory_space<semaphore_mem>>)
      %add3A_183 = arith.constant 4 : i32
      %add3A_184 = arith.addi %mul3A_56, %add3A_183 : i32
      %add3A_185 = arith.constant 3 : i32
      %add3A_186 = arith.addi %add3A_184, %add3A_185 : i32
      %lt3A_187 = arith.constant 64 : i32
      %lt3A_188 = arith.cmpi slt, %add3A_186, %lt3A_187 : i32
      %convert_element_type3A_189 = arith.extui %lt3A_188 : i1 to i32
      %cond3A_190 = arith.constant 0 : i32
      %cond3A_191 = arith.cmpi ne, %convert_element_type3A_189, %cond3A_190 : i32
      scf.if %cond3A_191 {
        %add3A_192 = arith.constant 4 : i32
        %add3A_193 = arith.addi %mul3A_56, %add3A_192 : i32
        %add3A_194 = arith.constant 3 : i32
        %add3A_195 = arith.addi %add3A_193, %add3A_194 : i32
        %mul3A_196 = arith.constant 8 : i32
        %mul3A_197 = arith.muli %add3A_195, %mul3A_196 : i32
        %add3A_198 = arith.addi %mul3A_2, %mul3A_197 : i32
        %dma_start3A_199 = arith.constant 0 : i32
        %dma_start3A_200 = tpu.memref_slice %arg2[%add3A_198, %dma_start3A_199] : memref<16384x2048xf32, #tpu.memory_space<hbm>> -> memref<8x2048xf32, #tpu.memory_space<hbm>>
        %dma_start3A_201 = arith.constant 0 : i32
        %dma_start3A_202 = tpu.memref_slice %arg2[%add3A_198, %dma_start3A_201] : memref<16384x2048xf32, #tpu.memory_space<hbm>> -> memref<8x2048xf32, #tpu.memory_space<hbm>>
        tpu.enqueue_dma source(%dma_start3A_202 : memref<8x2048xf32, #tpu.memory_space<hbm>>) target(%arg9 : memref<8x2048xf32, #tpu.memory_space<vmem>>) target_semaphore(%arg17 : memref<!tpu.dma_semaphore, #tpu.memory_space<semaphore_mem>>)
      } else {
      }
    }
    %scan3A_30 = arith.constant 16 : i32
    %add3A_31 = arith.constant 0 : i32
    %add3A_32 = arith.addi %mul3A_2, %add3A_31 : i32
    %dma_wait3A = arith.constant 0 : i32
    %dma_wait3A_33 = tpu.memref_slice %arg4[%add3A_32, %dma_wait3A] : memref<16384x1024xf32, #tpu.memory_space<hbm>> -> memref<8x1024xf32, #tpu.memory_space<hbm>>
    %dma_wait3A_34 = arith.constant 0 : i32
    %dma_wait3A_35 = tpu.memref_slice %arg4[%add3A_32, %dma_wait3A_34] : memref<16384x1024xf32, #tpu.memory_space<hbm>> -> memref<8x1024xf32, #tpu.memory_space<hbm>>
    tpu.wait_dma2 semaphore(%arg18 : memref<!tpu.dma_semaphore, #tpu.memory_space<semaphore_mem>>) src(%arg10 : memref<8x1024xf32, #tpu.memory_space<vmem>>) dst(%dma_wait3A_35 : memref<8x1024xf32, #tpu.memory_space<hbm>>)
    %add3A_36 = arith.constant 0 : i32
    %add3A_37 = arith.addi %mul3A_2, %add3A_36 : i32
    %dma_wait3A_38 = arith.constant 0 : i32
    %dma_wait3A_39 = tpu.memref_slice %arg4[%add3A_37, %dma_wait3A_38] : memref<16384x1024xf32, #tpu.memory_space<hbm>> -> memref<8x1024xf32, #tpu.memory_space<hbm>>
    %dma_wait3A_40 = arith.constant 0 : i32
    %dma_wait3A_41 = tpu.memref_slice %arg4[%add3A_37, %dma_wait3A_40] : memref<16384x1024xf32, #tpu.memory_space<hbm>> -> memref<8x1024xf32, #tpu.memory_space<hbm>>
    tpu.wait_dma2 semaphore(%arg19 : memref<!tpu.dma_semaphore, #tpu.memory_space<semaphore_mem>>) src(%arg11 : memref<8x1024xf32, #tpu.memory_space<vmem>>) dst(%dma_wait3A_41 : memref<8x1024xf32, #tpu.memory_space<hbm>>)
    %add3A_42 = arith.constant 0 : i32
    %add3A_43 = arith.addi %mul3A_2, %add3A_42 : i32
    %dma_wait3A_44 = arith.constant 0 : i32
    %dma_wait3A_45 = tpu.memref_slice %arg4[%add3A_43, %dma_wait3A_44] : memref<16384x1024xf32, #tpu.memory_space<hbm>> -> memref<8x1024xf32, #tpu.memory_space<hbm>>
    %dma_wait3A_46 = arith.constant 0 : i32
    %dma_wait3A_47 = tpu.memref_slice %arg4[%add3A_43, %dma_wait3A_46] : memref<16384x1024xf32, #tpu.memory_space<hbm>> -> memref<8x1024xf32, #tpu.memory_space<hbm>>
    tpu.wait_dma2 semaphore(%arg20 : memref<!tpu.dma_semaphore, #tpu.memory_space<semaphore_mem>>) src(%arg12 : memref<8x1024xf32, #tpu.memory_space<vmem>>) dst(%dma_wait3A_47 : memref<8x1024xf32, #tpu.memory_space<hbm>>)
    %add3A_48 = arith.constant 0 : i32
    %add3A_49 = arith.addi %mul3A_2, %add3A_48 : i32
    %dma_wait3A_50 = arith.constant 0 : i32
    %dma_wait3A_51 = tpu.memref_slice %arg4[%add3A_49, %dma_wait3A_50] : memref<16384x1024xf32, #tpu.memory_space<hbm>> -> memref<8x1024xf32, #tpu.memory_space<hbm>>
    %dma_wait3A_52 = arith.constant 0 : i32
    %dma_wait3A_53 = tpu.memref_slice %arg4[%add3A_49, %dma_wait3A_52] : memref<16384x1024xf32, #tpu.memory_space<hbm>> -> memref<8x1024xf32, #tpu.memory_space<hbm>>
    tpu.wait_dma2 semaphore(%arg21 : memref<!tpu.dma_semaphore, #tpu.memory_space<semaphore_mem>>) src(%arg13 : memref<8x1024xf32, #tpu.memory_space<vmem>>) dst(%dma_wait3A_53 : memref<8x1024xf32, #tpu.memory_space<hbm>>)
    return
  }
}

</mosaic_0001>

<sc_bundles>
// kernel: kernel.3.cloned.1.call-start
scs
__scs_entry_jumppad:
0x0: {  	(pc) =	sbr.rel $0x88, $3  }
0x1: {  	(tag) =	ssettag $0x0;
	lr =	simm.s32 $0x1  }
0x2: {  	[smem:$0x3FA0] =	sst lr;
	_ =	strace $0xD0000000  }
0x3: {  	_ = 	snop  }
0x4: {  	_ = 	snop  }
0x5: {  	_ = 	snop  }
0x6: {  	_ = 	snop  }
0x7: {  	_ = 	snop  }
__scs_overlays_trampoline_lowered:
0x8: {  	[smem:$0x3FAF] =	sst s0  }
0x9: {  	[smem:$0x3FB0] =	sst s1  }
0xa: {  	[smem:$0x3FB1] =	sst s2  }
0xb: {  	[smem:$0x3FB2] =	sst s3  }
0xc: {  	[smem:$0x3FB3] =	sst s4  }
0xd: {  	[smem:$0x3FB4] =	sst s5  }
0xe: {  	[smem:$0x3FB5] =	sst s6  }
0xf: {  	[smem:$0x3FB6] =	sst s7  }
0x10: {  	[smem:$0x3FB7] =	sst s8  }
0x11: {  	[smem:$0x3FB8] =	sst s9;
	s0 =	simm.s32 @!p0 $0x0  }
0x12: {  	s1 =	sld [smem:$0x3F9E];
	s0 =	simm.s32 @p0 $0x1  }
0x13: {  	[smem:$0x3FB9] =	sst s0;
	s0 =	simm.s32 @!p1 $0x0  }
0x14: {  	s2 =	sld [smem:$0x3F9D];
	s0 =	simm.s32 @p1 $0x1  }
0x15: {  	[smem:$0x3FBA] =	sst s0;
	s0 =	simm.s32 @!p2 $0x0  }
0x16: {  	s3 =	sld [smem:$0x3FDB];
	s0 =	simm.s32 @p2 $0x1  }
0x17: {  	s4 =	simm.s32 $0x1BF5;
	[smem:$0x3FBC] =	sst s0  }
0x18: {  	s0 =	sld [smem:$0x3F9F];
	_ =	swait.ge [sflag:s4], $0x0  }
0x19: {  	s7 =	sld [smem:$0x3FA0]  }
0x1a: {  	s8 =	sadd.s32 $0xFFFFE003, lr  }
0x1b: {  	s9 =	sadd.s32 $0xFFFFFEF7, lr;
	s5 =	simm.s32 $0xFFFFFFFF;
	p2 =	slt.u32 s8, $0xFFFFF086  }
0x1c: {  	p1 =	slt.u32 s9, $0xF7A;
	s5 =	simm.s32 @!p2 $0x0  }
0x1d: {  	s5 =	simm.s32 @p1 $0x1;
	p0 =	seq.s32 s7, s2  }
0x1e: {  	s7 =	smul.u32 @!p0 $0xF7A, s2;
	p2 =	seq.s32 @!p0 s5, $0x0  }
0x1f: {  	s9 =	smul.u32 $0xF7A, s1;
	s8 =	simm.s32 @!p0 $0x1BF5;
	p2 =	por !p2, p0  }
0x20: {  	[sflag:s8] =	ssyncset.s32 @!p0 $0xFFFFF086;
	s6 =	sadd.s32 @!p0 s3, s7;
	s7 =	simm.s32 @!p0 $0x108  }
0x21: {  	s3 =	sadd.s32 s3, s9;
	s6 =	sadd.s32 @!p0 $0x88, s6;
	s7 =	simm.s32 @p2 $0x1082  }
0x22: {  	[simem:s7], [sflag:s8] =	dma.local @!p0 [hbm:s6], $0xF7A  }
0x23: {  	s9 =	sor.u32 $0xD0000000, s2;
	s6 =	simm.s32 $0x108;
	_ =	swait.ge @!p0 [sflag:s8], $0x0  }
0x24: {  	s3 =	sadd.s32 $0x88, s3;
	s6 =	simm.s32 @!p1 $0x1082;
	[sflag:s4] =	ssyncset.s32 $0xFFFFF086  }
0x25: {  	[simem:s6], [sflag:s4] =	dma.local [hbm:s3], $0xF7A  }
0x26: {  	[smem:$0x3FA0] =	sst s1;
	(tag) =	ssettag s2;
	_ =	strace s9  }
0x27: {  	s1 =	sld [smem:$0x3FB0]  }
0x28: {  	s2 =	sld [smem:$0x3FB1]  }
0x29: {  	s4 =	sld [smem:$0x3FB3]  }
0x2a: {  	p0 =	seq.s32 s5, $0x0;
	s5 =	sld [smem:$0x3FB4]  }
0x2b: {  	s6 =	sld [smem:$0x3FB5]  }
0x2c: {  	s7 =	sld [smem:$0x3FB6]  }
0x2d: {  	s3 =	simm.s32 $0x108;
	s8 =	sld [smem:$0x3FB7]  }
0x2e: {  	s3 =	simm.s32 @!p0 $0x1082;
	s9 =	sld [smem:$0x3FB8]  }
0x2f: {  	lr =	sadd.s32 s0, s3;
	s0 =	sld [smem:$0x3FAF]  }
0x30: {  	s3 =	sld [smem:$0x3FB2]  }
0x31: {  	[smem:$0x3FBB] =	sst s10  }
0x32: {  	s10 =	sld [smem:$0x3FB9];
	_ =	sdelay $0x3  }
0x33: {  	p0 =	seq.s32 s10, $0x1;
	s10 =	sld [smem:$0x3FBB];
	_ =	sdelay $0x3  }
0x34: {  	[smem:$0x3FBB] =	sst s10  }
0x35: {  	s10 =	sld [smem:$0x3FBA];
	_ =	sdelay $0x3  }
0x36: {  	p1 =	seq.s32 s10, $0x1;
	s10 =	sld [smem:$0x3FBB];
	_ =	sdelay $0x3  }
0x37: {  	[smem:$0x3FBB] =	sst s10  }
0x38: {  	s10 =	sld [smem:$0x3FBC]  }
0x39: {  	_ = 	snop;
	(pc) =	sbr.ind lr, $3  }
0x3a: {  	_ = 	snop  }
0x3b: {  	_ = 	snop  }
0x3c: {  	p2 =	seq.s32 s10, $0x1;
	s10 =	sld [smem:$0x3FBB]  }
0x3d: {  	_ =	shalt  }
0x3e: {  	_ =	shalt  }
0x3f: {  	_ =	shalt  }
0x40: {  	_ =	shalt  }
0x41: {  	_ =	shalt  }
0x42: {  	_ =	shalt  }
0x43: {  	_ =	shalt  }
0x44: {  	_ =	shalt  }
0x45: {  	_ =	shalt  }
0x46: {  	_ =	shalt  }
0x47: {  	_ =	shalt  }
0x48: {  	_ =	shalt  }
0x49: {  	_ =	shalt  }
0x4a: {  	_ =	shalt  }
0x4b: {  	_ =	shalt  }
0x4c: {  	_ =	shalt  }
0x4d: {  	_ =	shalt  }
0x4e: {  	_ =	shalt  }
0x4f: {  	_ =	shalt  }
0x50: {  	_ =	shalt  }
0x51: {  	_ =	shalt  }
0x52: {  	_ =	shalt  }
0x53: {  	_ =	shalt  }
0x54: {  	_ =	shalt  }
0x55: {  	_ =	shalt  }
0x56: {  	_ =	shalt  }
0x57: {  	_ =	shalt  }
0x58: {  	_ =	shalt  }
0x59: {  	_ =	shalt  }
0x5a: {  	_ =	shalt  }
0x5b: {  	_ =	shalt  }
0x5c: {  	_ =	shalt  }
0x5d: {  	_ =	shalt  }
0x5e: {  	_ =	shalt  }
0x5f: {  	_ =	shalt  }
0x60: {  	_ =	shalt  }
0x61: {  	_ =	shalt  }
0x62: {  	_ =	shalt  }
0x63: {  	_ =	shalt  }
0x64: {  	_ =	shalt  }
0x65: {  	_ =	shalt  }
0x66: {  	_ =	shalt  }
0x67: {  	_ =	shalt  }
0x68: {  	_ =	shalt  }
0x69: {  	_ =	shalt  }
0x6a: {  	_ =	shalt  }
0x6b: {  	_ =	shalt  }
0x6c: {  	_ =	shalt  }
0x6d: {  	_ =	shalt  }
0x6e: {  	_ =	shalt  }
0x6f: {  	_ =	shalt  }
0x70: {  	_ =	shalt  }
0x71: {  	_ =	shalt  }
0x72: {  	_ =	shalt  }
0x73: {  	_ =	shalt  }
0x74: {  	_ =	shalt  }
0x75: {  	_ =	shalt  }
0x76: {  	_ =	shalt  }
0x77: {  	_ =	shalt  }
0x78: {  	_ =	shalt  }
0x79: {  	_ =	shalt  }
0x7a: {  	_ =	shalt  }
0x7b: {  	_ =	shalt  }
0x7c: {  	_ =	shalt  }
0x7d: {  	_ =	shalt  }
0x7e: {  	_ =	shalt  }
0x7f: {  	_ =	shalt  }
0x80: {  	_ =	shalt  }
0x81: {  	_ =	shalt  }
0x82: {  	_ =	shalt  }
0x83: {  	_ =	shalt  }
0x84: {  	_ =	shalt  }
0x85: {  	_ =	shalt  }
0x86: {  	_ =	shalt  }
0x87: {  	_ =	shalt  }
.Lfunc_end0:
.L_simem_size_0:
called_computation_lowered:
.L_overlay_start_0:
0x88: {  	s2 =	sld [smem:$0x3FD9]  }
0x89: {  	s3 =	sld [smem:$0x3FFE];
	_ =	sdelay $0x1  }
0x8a: {  	s1 =	srdreg.scid  }
0x8b: {  	s0 =	sand.u32 $0x1, s1  }
0x8c: {  	s17 =	sshll.u32 s0, $0xA;
	s2 =	sadd.s32 s3, s2  }
0x8d: {  	s2 =	sadd.s32 s2, s17  }
0x8e: {  	[smem:$0x3FC7] =	sst s2  }
0x8f: {  	_ = 	snop  }
0x90: {  	s2 =	sld [smem:$0x3FC9]  }
0x91: {  	s18 =	sld [smem:$0x3FD0];
	(tm) =	ssettm $0x1  }
0x92: {  	s4 =	sld [smem:$0x3FFB];
	_ =	sdelay $0x3  }
0x93: {  	_ =	strace s4  }
0x94: {  	s4 =	sld [smem:$0x3FFC];
	_ =	sdelay $0x3  }
0x95: {  	_ =	strace s4  }
0x96: {  	s4 =	sld [smem:$0x3FFD];
	_ =	sdelay $0x3  }
0x97: {  	_ =	strace s4  }
0x98: {  	_ =	strace $0x8FFFFFFF  }
0x99: {  	s19 =	sld [smem:$0x3FDB];
	_ =	sdelay $0x1  }
0x9a: {  	s5 =	simm.s32 $_scs_section_size  }
0x9b: {  	s6 =	simm.s32 $_size__tile_overlayer_lowered;
	s7 =	simm.s32 $_tile_overlayer_lowered  }
0x9c: {  	s22 =	simm.s32 $0x1BFF;
	s21 =	sshll.u32 s7, $0x1;
	s4 =	sadd.s32 s5, s19  }
0x9d: {  	s8 =	simm.s32 $0x0;
	s20 =	sshll.u32 s6, $0x1;
	s6 =	sadd.s32 s21, s4  }
0x9e: {  	[timem:s8], [sflag:s22] =	dma.local [hbm:s6], s20  }
0x9f: {  	_ =	swait.ge [sflag:s22], s20  }
0xa0: {  	s5 =	ssub.s32 $0x0, s20;
	[sflag:s22] =	ssyncset.done $0x0  }
0xa1: {  	[sflag:s22] =	ssyncadd.s32 s5;
	_ =	sdelay $0x1  }
0xa2: {  	s23 =	simm.s32 $0x1B8B  }
0xa3: {  	_ =	swait.ge [sflag:s23], $0x1  }
0xa4: {  	[sflag:s23] =	ssyncset.done $0x0  }
0xa5: {  	s25 =	simm.s32 $0x1B8E;
	s24 =	sld [smem:$0x3FFE];
	[sflag:s23] =	ssyncadd.s32 $0xFFFFFFFF  }
0xa6: {  	s26 =	simm.s32 $execute0_lowered;
	[smem:$0x3FD2] =	sst s25  }
0xa7: {  	s6 =	sshll.u32 s26, $0x1;
	_ =	strace $0x80000046;
	[dreg:$0x1] =	wrdreg $0xFFFFFFFF  }
0xa8: {  	s28 =	simm.s32 $_size_execute0_lowered;
	s4 =	sadd.s32 s4, s6;
	[dreg:$0x0] =	wrdreg $0x0  }
0xa9: {  	s6 =	sshll.u32 s28, $0x1;
	[dreg:$0x2] =	wrdreg s4  }
0xaa: {  	[dreg:$0x3] =	wrdreg s6  }
0xab: {  	[dreg:$0x4] =	wrdreg $0xC0  }
0xac: {  	_ =	task [dreg:s8], $0x5FFFF  }
0xad: {  	[dreg:$0x1] =	wrdreg $0xFFFFFFFF  }
0xae: {  	[dreg:$0x0] =	wrdreg $0x60  }
0xaf: {  	[dreg:$0x2] =	wrdreg s2  }
0xb0: {  	[dreg:$0x3] =	wrdreg s24  }
0xb1: {  	[dreg:$0x4] =	wrdreg s18  }
0xb2: {  	[dreg:$0x5] =	wrdreg $0x9  }
0xb3: {  	_ =	task.clear_ibuf [dreg:s8], $0x6FFFF;
	_ =	strace $0x90000046  }
0xb4: {  	s29 =	simm.s32 $0x9;
	_ =	strace $0x80000048  }
0xb5: {  	_ =	swait.ge [sflag:s29], $0x1  }
0xb6: {  	[sflag:s29] =	ssyncadd.s32 $0xFFFFFFFF  }
0xb7: {  	_ =	strace $0x90000048  }
0xb8: {  	_ =	sfence  }
0xb9: {  	s30 =	sld [smem:$0x0];
	_ =	sdelay $0x2  }
0xba: {  	s31 =	sshll.u32 s1, $0xD;
	s1 =	sshrl.u32 s1, $0x2  }
0xbb: {  	s3 =	sand.u32 $0x4000, s31;
	s1 =	sadd.s32 s1, s30  }
0xbc: {  	s0 =	sor.u32 s3, s0;
	s1 =	sshll.u32 s1, $0x11  }
0xbd: {  	s0 =	sor.u32 s1, s0  }
0xbe: {  	s0 =	sadd.s32 $0x8F2B, s0  }
0xbf: {  	[sflag:s0] =	ssyncadd.remote.s32 $0x1  }
0xc0: {  	_ =	sfence.sel $0xFFFF  }
0xc1: {  	[dreg:$0x0] =	wrdreg $0xFFFFFFFF;
	(pc) =	sbr.abs _section_cstart, $3  }
0xc2: {  	[dreg:$0x1] =	wrdreg $0xFFFFFFFF  }
0xc3: {  	_ =	task.clear_ibuf [dreg:s8], $0x2FFFF;
	_ =	strace $0x9FFFFFFF  }
0xc4: {  	(tm) =	ssettm $0x7FFFFFFF  }
0xc5: {  	_ =	shalt  }
tec
execute0_lowered:
.L_overlay_start_1:
0x0: {  	(tag) =	ssettag $0x1  }
0x1: {  	s4 =	rddreg [dreg:$0x0]  }
0x2: {  	s0 =	rddreg [dreg:$0x1]  }
0x3: {  	s5 =	rddreg [dreg:$0x2]  }
0x4: {  	s1 =	srdreg.scid;
	s2 =	stileid.u32;
	s29 =	simm.s32 $0x0  }
0x5: {  	s1 =	sand.u32 $0x1, s1;
	s2 =	sshll.u32 s2, $0xA;
	[smem:$0x7FF] =	sst s29  }
0x6: {  	s0 =	sadd.s32 $0x400, s0;
	s3 =	sshll.u32 s1, $0x9;
	s1 =	ssub.s32 $0x2, s1  }
0x7: {  	_ =	strace $0x80000047;
	s3 =	sor.u32 s3, s2;
	s20 =	sshrl.u32 s1, $0x1  }
0x8: {  	[dreg:$0x5] =	wrdreg s0;
	s2 =	sshll.u32 s3, $0x8;
	s0 =	ssub.s32 s1, s20  }
0x9: {  	s24 =	sshll.u32 s3, $0x7;
	[dreg:$0x4] =	wrdreg s3;
	s2 =	sadd.s32 s4, s2  }
0xa: {  	s25 =	sshrl.u32 s3, $0x3;
	s1 =	sadd.s32 s5, s24;
	[dreg:$0x6] =	wrdreg s2  }
0xb: {  	s26 =	sor.u32 $0x4, s25;
	[dreg:$0xa] =	wrdreg s1  }
0xc: {  	s28 =	sor.u32 $0x5, s25;
	[dreg:$0xb] =	wrdreg s26  }
0xd: {  	s30 =	sor.u32 $0x6, s25;
	[dreg:$0xc] =	wrdreg s28  }
0xe: {  	s31 =	sor.u32 $0x7, s25;
	[dreg:$0xd] =	wrdreg s30  }
.Ltmp0:
0xf: {  	s0 =	smax.u32 s0, $0x1;
	[dreg:$0xe] =	wrdreg s31;
	(pc) =	sbr.rel .LBB2_1-.Ltmp0, $4  }
0x10: {  	s17 =	simm.s32 $0x400;
	s21 =	sadd.s32 $0x800, s2;
	[dreg:$0xf] =	wrdreg s0  }
0x11: {  	s18 =	simm.s32 $0x4400;
	s22 =	sadd.s32 $0x1000, s2;
	[dreg:$0x7] =	wrdreg s21  }
0x12: {  	s19 =	simm.s32 $0x8400;
	s23 =	sadd.s32 $0x1800, s2;
	[dreg:$0x8] =	wrdreg s22  }
0x13: {  	s20 =	simm.s32 $0xC400;
	s2 =	simm.s32 $0x0;
	[dreg:$0x9] =	wrdreg s23  }
.LBB2_12:
0x14: {  	s0 =	simm.s32 $0x5  }
0x15: {  	_ =	swait.ge [sflag:s0], $0x2000  }
0x16: {  	[sflag:s0] =	ssyncset.done $0x0  }
0x17: {  	s28 =	simm.s32 $0x6;
	[sflag:s0] =	ssyncadd.s32 $0xFFFFE000  }
0x18: {  	_ =	swait.ge [sflag:s28], $0x2000  }
0x19: {  	[sflag:s28] =	ssyncset.done $0x0  }
0x1a: {  	s30 =	simm.s32 $0x7;
	[sflag:s28] =	ssyncadd.s32 $0xFFFFE000  }
0x1b: {  	_ =	swait.ge [sflag:s30], $0x2000  }
0x1c: {  	[sflag:s30] =	ssyncset.done $0x0  }
0x1d: {  	s1 =	simm.s32 $0x8;
	[sflag:s30] =	ssyncadd.s32 $0xFFFFE000  }
0x1e: {  	_ =	swait.ge [sflag:s1], $0x2000  }
0x1f: {  	s2 =	rddreg [dreg:$0x10]  }
0x20: {  	s31 =	rddreg [dreg:$0xf];
	s2 =	sadd.s32 $0x1, s2  }
0x21: {  	p0 =	sne.s32 s2, s31  }
.Ltmp1:
0x22: {  	_ = 	snop;
	(pc) =	sbr.rel @!p0 .LBB2_13-.Ltmp1, $3  }
0x23: {  	_ =	sdelay $0x1  }
0x24: {  	[sflag:s1] =	ssyncset.done $0x0  }
0x25: {  	[sflag:s1] =	ssyncadd.s32 $0xFFFFE000  }
.LBB2_1:
0x26: {  	[dreg:$0x10] =	wrdreg s2  }
0x27: {  	s0 =	rddreg [dreg:$0x6]  }
0x28: {  	[tilespmem:s17], [sflag:$0x1] =	stream.linear.gather [hbm4b:s0+s29], $0x4000, $0x38;
	[tilespmem:$0x18400] =	vst v63  }
0x29: {  	s25 =	rddreg [dreg:$0x7]  }
0x2a: {  	[tilespmem:s18], [sflag:$0x2] =	stream.linear.gather [hbm4b:s25+s29], $0x4000, $0x38;
	[tilespmem:$0x18400] =	vst v63  }
0x2b: {  	s26 =	rddreg [dreg:$0x8]  }
0x2c: {  	[tilespmem:s19], [sflag:$0x3] =	stream.linear.gather [hbm4b:s26+s29], $0x4000, $0x38;
	[tilespmem:$0x18400] =	vst v63  }
0x2d: {  	s28 =	rddreg [dreg:$0x9]  }
0x2e: {  	[tilespmem:s20], [sflag:$0x4] =	stream.linear.gather [hbm4b:s28+s29], $0x4000, $0x38;
	[tilespmem:$0x18400] =	vst v63  }
0x2f: {  	s30 =	rddreg [dreg:$0x5];
	s31 =	simm.s32 $0x9  }
0x30: {  	[tilespmem:s29], [sflag:$0x9] =	stream.linear.gather [hbm4b:s30+s29], $0x400, $0x38;
	[tilespmem:$0x18400] =	vst v63  }
0x31: {  	_ =	swait.ge [sflag:s31], $0x400  }
0x32: {  	[sflag:s31] =	ssyncset.done $0x0  }
0x33: {  	s9 =	simm.s32 $0x0;
	[sflag:s31] =	ssyncadd.s32 $0xFFFFFC00  }
.LBB2_2:
0x34: {  	s0 =	simm.s32 $0x1  }
0x35: {  	_ =	swait.ge [sflag:s0], $0x4000  }
0x36: {  	p0 =	seq.s32 s9, $0x0;
	[sflag:s0] =	ssyncset.done $0x0  }
0x37: {  	s2 =	simm.s32 $0x0;
	[sflag:s0] =	ssyncadd.s32 $0xFFFFC000;
	s0 =	simm.s32 @!p0 $0x5  }
0x38: {  	s1 =	sand.u32 $0x40, s2;
	_ =	swait.ge @!p0 [sflag:s0], $0x2000  }
0x39: {  	s3 =	sand.u32 $0x380, s2;
	s5 =	sor.u32 $0x30, s1;
	[sflag:s0] =	ssyncset.done @!p0 $0x0  }
0x3a: {  	s26 =	sor.u32 s5, s3;
	[sflag:s0] =	ssyncadd.s32 @!p0 $0xFFFFE000  }
0x3b: {  	s8 =	simm.s32 $0x0;
	v0 =	vld [tilespmem:s26+$0x0]  }
0x3c: {  	s30 =	sor.u32 $0x10, s1;
	v1 =	vld [tilespmem:s8+$0x0]  }
0x3d: {  	s7 =	sor.u32 $0x20, s1;
	s6 =	sor.u32 s30, s3  }
0x3e: {  	s3 =	sor.u32 s7, s3;
	v2 =	vld [tilespmem:s6+$0x0]  }
0x3f: {  	v3 =	vld [tilespmem:s3+$0x0]  }
0x40: {  	v4 =	vshll.u32 v0, $0x3  }
0x41: {  	v5 =	vshll.u32 v1, $0x3;
	v0 =	vand.u32 $0x7F, v0;
	v4 =	vand.u32 $0xFFFFFC00, v4  }
0x42: {  	v1 =	vand.u32 $0x7F, v1;
	v6 =	vand.u32 $0xFFFFFC00, v5;
	v5 =	vor.u32 v0, v4  }
0x43: {  	v0 =	vor.u32 v1, v6;
	v1 =	vshll.u32 v2, $0x3  }
0x44: {  	v4 =	vshll.u32 v3, $0x3;
	v2 =	vand.u32 $0x7F, v2;
	v1 =	vand.u32 $0xFFFFFC00, v1  }
0x45: {  	v6 =	vand.u32 $0xFFFFFC00, v4;
	v4 =	vor.u32 v2, v1;
	v1 =	vand.u32 $0x7F, v3  }
0x46: {  	v3 =	vor.u32 v1, v6  }
0x47: {  	v1 =	vld.idx.msk [tilespmem:v5+s17+$0x0], $0xffff  }
0x48: {  	v6 =	vor.u32 $0x80, v5;
	v2 =	vld.idx.msk [tilespmem:v0+s17+$0x0], $0xffff  }
0x49: {  	s4 =	sand.u32 $0x1C00, s8;
	v7 =	vor.u32 $0x80, v0  }
0x4a: {  	s3 =	sadd.s32 $0x10400, s4;
	v8 =	vld.idx.msk [tilespmem:v4+s17+$0x0], $0xffff  }
0x4b: {  	s12 =	sor.u32 s5, s3;
	v9 =	vor.u32 $0x80, v4;
	v10 =	vld.idx.msk [tilespmem:v3+s17+$0x0], $0xffff  }
0x4c: {  	s1 =	sor.u32 s1, s3;
	v11 =	vor.u32 $0x80, v3;
	[tilespmem:s12+$0x0] =	vst v1  }
0x4d: {  	[tilespmem:s1+$0x0] =	vst v2;
	v1 =	vld.idx.msk [tilespmem:v6+s17+$0x0], $0xffff  }
0x4e: {  	s13 =	sor.u32 s30, s3;
	v2 =	vld.idx.msk [tilespmem:v7+s17+$0x0], $0xffff;
	v6 =	vor.u32 $0x100, v5  }
0x4f: {  	s6 =	sor.u32 s7, s3;
	v7 =	vor.u32 $0x100, v0;
	[tilespmem:s13+$0x0] =	vst v8  }
0x50: {  	v8 =	vld.idx.msk [tilespmem:v9+s17+$0x0], $0xffff;
	[tilespmem:s6+$0x0] =	vst v10  }
0x51: {  	v9 =	vor.u32 $0x100, v4;
	v10 =	vld.idx.msk [tilespmem:v11+s17+$0x0], $0xffff  }
0x52: {  	v11 =	vor.u32 $0x100, v3;
	[tilespmem:s12+$0x80] =	vst v1  }
0x53: {  	[tilespmem:s1+$0x80] =	vst v2;
	v1 =	vld.idx.msk [tilespmem:v6+s17+$0x0], $0xffff  }
0x54: {  	v2 =	vld.idx.msk [tilespmem:v7+s17+$0x0], $0xffff;
	v6 =	vor.u32 $0x180, v5  }
0x55: {  	v7 =	vor.u32 $0x180, v0;
	[tilespmem:s13+$0x80] =	vst v8  }
0x56: {  	v8 =	vld.idx.msk [tilespmem:v9+s17+$0x0], $0xffff;
	[tilespmem:s6+$0x80] =	vst v10  }
0x57: {  	s15 =	simm.s32 $0x40;
	s7 =	simm.s32 $0x40;
	v9 =	vor.u32 $0x180, v4;
	v10 =	vld.idx.msk [tilespmem:v11+s17+$0x0], $0xffff  }
0x58: {  	s16 =	sand.u32 $0x40, s7;
	v11 =	vld [tilespmem:s15+$0x0];
	[tilespmem:s12+$0x100] =	vst v1  }
0x59: {  	s21 =	sand.u32 $0x380, s7;
	s11 =	sor.u32 $0x30, s16;
	[tilespmem:s1+$0x100] =	vst v2;
	v1 =	vld.idx.msk [tilespmem:v6+s17+$0x0], $0xffff  }
0x5a: {  	s10 =	sor.u32 s11, s21;
	v2 =	vor.u32 $0x180, v3;
	v6 =	vld.idx.msk [tilespmem:v7+s17+$0x0], $0xffff  }
0x5b: {  	s22 =	sor.u32 $0x10, s16;
	v7 =	vor.u32 $0x200, v5;
	[tilespmem:s13+$0x100] =	vst v8;
	v8 =	vld [tilespmem:s10+$0x0]  }
0x5c: {  	s23 =	sor.u32 $0x20, s16;
	s14 =	sor.u32 s22, s21;
	v9 =	vld.idx.msk [tilespmem:v9+s17+$0x0], $0xffff  }
0x5d: {  	s3 =	sor.u32 s23, s21;
	v13 =	vld [tilespmem:s14+$0x0];
	v12 =	vor.u32 $0x200, v4;
	v14 =	vshll.u32 v11, $0x3  }
0x5e: {  	v15 =	vld [tilespmem:s3+$0x0];
	[tilespmem:s6+$0x100] =	vst v10;
	v10 =	vor.u32 $0x200, v0;
	v11 =	vand.u32 $0x7F, v11;
	v14 =	vand.u32 $0xFFFFFC00, v14  }
0x5f: {  	p1 =	por $0x0, $0x0;
	s3 =	simm.s32 $0x1;
	v16 =	vld.idx.msk [tilespmem:v2+s17+$0x0], $0xffff;
	[tilespmem:s12+$0x180] =	vst v1;
	v1 =	vor.u32 v11, v14  }
0x60: {  	s3 =	simm.s32 @!p1 $0x0;
	v11 =	vor.u32 $0x200, v3;
	v7 =	vld.idx.msk [tilespmem:v7+s17+$0x0], $0xffff;
	v2 =	vshll.u32 v8, $0x3  }
0x61: {  	s3 =	sshll.u32 s3, $0x6;
	v8 =	vand.u32 $0x7F, v8;
	[tilespmem:s13+$0x180] =	vst v9;
	v2 =	vand.u32 $0xFFFFFC00, v2;
	v9 =	vor.u32 $0x280, v5  }
0x62: {  	v14 =	vor.u32 $0x280, v4;
	[tilespmem:s1+$0x180] =	vst v6;
	s12 =	sadd.s32 $0x0, s3;
	v6 =	vld.idx.msk [tilespmem:v12+s17+$0x0], $0xffff;
	v12 =	vshll.u32 v13, $0x3;
	v2 =	vor.u32 v8, v2  }
0x63: {  	s3 =	sadd.s32 $0x30, s12;
	v8 =	vld.idx.msk [tilespmem:v10+s17+$0x0], $0xffff;
	v10 =	vshll.u32 v15, $0x3;
	v13 =	vand.u32 $0x7F, v13;
	v12 =	vand.u32 $0xFFFFFC00, v12  }
0x64: {  	s24 =	sor.u32 $0x200, s3;
	v10 =	vand.u32 $0xFFFFFC00, v10;
	[tilespmem:s6+$0x180] =	vst v16;
	v17 =	vld.idx.msk [tilespmem:v1+s17+$0x0], $0xffff;
	v21 =	vor.u32 v13, v12;
	v12 =	vand.u32 $0x7F, v15  }
0x65: {  	s13 =	sadd.s32 $0x10, s12;
	v11 =	vld.idx.msk [tilespmem:v11+s17+$0x0], $0xffff;
	v10 =	vor.u32 v12, v10;
	[tilespmem:s24+$0x10400] =	vst v7  }
0x66: {  	s25 =	sor.u32 $0x200, s13;
	v7 =	vor.u32 $0x280, v0;
	v9 =	vld.idx.msk [tilespmem:v9+s17+$0x0], $0xffff  }
0x67: {  	s0 =	simm.s32 $0x200;
	s26 =	sor.u32 $0x200, s12;
	v12 =	vor.u32 $0x280, v3;
	v13 =	vld.idx.msk [tilespmem:v2+s17+$0x0], $0xffff;
	[tilespmem:s25+$0x10400] =	vst v6  }
0x68: {  	s30 =	sand.u32 $0x1C00, s0;
	s14 =	sadd.s32 $0x20, s12;
	[tilespmem:s26+$0x10400] =	vst v8;
	v8 =	vor.u32 $0x80, v1;
	v6 =	vld.idx.msk [tilespmem:v14+s17+$0x0], $0xffff  }
0x69: {  	s1 =	sadd.s32 $0x10400, s30;
	s15 =	sor.u32 $0x200, s14;
	v14 =	vor.u32 $0x300, v5;
	v15 =	vld.idx.msk [tilespmem:v21+s17+$0x0], $0xffff  }
0x6a: {  	s5 =	sor.u32 s16, s1;
	v16 =	vor.u32 $0x80, v2;
	[tilespmem:s15+$0x10400] =	vst v11;
	v18 =	vld.idx.msk [tilespmem:v10+s17+$0x0], $0xffff  }
0x6b: {  	s4 =	sor.u32 $0x280, s3;
	v19 =	vor.u32 $0x80, v21;
	[tilespmem:s5+$0x0] =	vst v17;
	v22 =	vld.idx.msk [tilespmem:v7+s17+$0x0], $0xffff  }
0x6c: {  	s11 =	sor.u32 s11, s1;
	v7 =	vor.u32 $0x80, v10;
	v11 =	vld.idx.msk [tilespmem:v12+s17+$0x0], $0xffff;
	[tilespmem:s4+$0x10400] =	vst v9  }
0x6d: {  	s16 =	sor.u32 $0x280, s13;
	v9 =	vor.u32 $0x300, v4;
	[tilespmem:s11+$0x0] =	vst v13;
	v8 =	vld.idx.msk [tilespmem:v8+s17+$0x0], $0xffff  }
0x6e: {  	s25 =	sor.u32 s22, s1;
	v13 =	vor.u32 $0x300, v3;
	v12 =	vld.idx.msk [tilespmem:v14+s17+$0x0], $0xffff;
	[tilespmem:s16+$0x10400] =	vst v6  }
0x6f: {  	s6 =	sor.u32 s23, s1;
	v5 =	vor.u32 $0x380, v5;
	v16 =	vld.idx.msk [tilespmem:v16+s17+$0x0], $0xffff;
	[tilespmem:s25+$0x0] =	vst v15  }
0x70: {  	s21 =	sor.u32 $0x280, s14;
	v17 =	vor.u32 $0x100, v2;
	v15 =	vld.idx.msk [tilespmem:v19+s17+$0x0], $0xffff;
	[tilespmem:s6+$0x0] =	vst v18  }
0x71: {  	s24 =	sor.u32 $0x280, s12;
	v19 =	vor.u32 $0x100, v1;
	[tilespmem:s21+$0x10400] =	vst v11;
	v7 =	vld.idx.msk [tilespmem:v7+s17+$0x0], $0xffff  }
0x72: {  	s22 =	sor.u32 $0x300, s3;
	v6 =	vor.u32 $0x100, v21;
	[tilespmem:s24+$0x10400] =	vst v22;
	v23 =	vld.idx.msk [tilespmem:v9+s17+$0x0], $0xffff  }
0x73: {  	v20 =	vor.u32 $0x100, v10;
	v14 =	vld.idx.msk [tilespmem:v13+s17+$0x0], $0xffff;
	[tilespmem:s22+$0x10400] =	vst v12  }
0x74: {  	[tilespmem:s11+$0x80] =	vst v16;
	v16 =	vor.u32 $0x300, v0;
	v24 =	vld.idx.msk [tilespmem:v5+s17+$0x0], $0xffff  }
0x75: {  	v25 =	vor.u32 $0x380, v4;
	[tilespmem:s5+$0x80] =	vst v8;
	v18 =	vld.idx.msk [tilespmem:v17+s17+$0x0], $0xffff  }
0x76: {  	v4 =	vor.u32 $0x380, v21;
	v17 =	vld.idx.msk [tilespmem:v19+s17+$0x0], $0xffff;
	[tilespmem:s25+$0x80] =	vst v15  }
0x77: {  	s10 =	sshll.u32 s9, $0x2;
	s30 =	sor.u32 s0, s7;
	s31 =	sor.u32 $0x300, s12;
	v11 =	vor.u32 $0x200, v21;
	v22 =	vor.u32 $0x180, v2;
	v13 =	vor.u32 $0x180, v21;
	v19 =	vld.idx.msk [tilespmem:v6+s17+$0x0], $0xffff;
	[tilespmem:s6+$0x80] =	vst v7  }
0x78: {  	s28 =	sor.u32 $0x300, s14;
	s23 =	sor.u32 s8, s2;
	s26 =	sor.u32 $0x300, s13;
	v8 =	vor.u32 $0x280, v21;
	v6 =	vor.u32 $0x300, v21;
	v21 =	vor.u32 $0x180, v1;
	v20 =	vld.idx.msk [tilespmem:v20+s17+$0x0], $0xffff  }
0x79: {  	s2 =	sor.u32 $0x380, s30;
	s8 =	simm.s32 $0x80;
	s3 =	sor.u32 $0x380, s3;
	v3 =	vor.u32 $0x380, v3;
	v9 =	vor.u32 $0x200, v10;
	v12 =	vor.u32 $0x180, v10;
	[tilespmem:s26+$0x10400] =	vst v23;
	v15 =	vld.idx.msk [tilespmem:v16+s17+$0x0], $0xffff  }
0x7a: {  	s16 =	sor.u32 $0x380, s23;
	s23 =	sor.u32 $0x380, s13;
	s21 =	sor.u32 $0x380, s14;
	v5 =	vor.u32 $0x300, v10;
	v7 =	vor.u32 $0x280, v10;
	v10 =	vor.u32 $0x380, v10;
	v16 =	vld.idx.msk [tilespmem:v25+s17+$0x0], $0xffff;
	[tilespmem:s3+$0x10400] =	vst v24  }
.LBB2_3:
0x7b: {  	s7 =	sadd.s32 $0x40, s7;
	v23 =	vld [tilespmem:s8+$0x0];
	[tilespmem:s11+$0x100] =	vst v18  }
0x7c: {  	s15 =	sand.u32 $0x40, s7;
	p2 =	slt.u32 s7, $0x3C0;
	[tilespmem:s5+$0x100] =	vst v17;
	v17 =	vld.idx.msk [tilespmem:v22+s17+$0x0], $0xffff  }
0x7d: {  	s1 =	sand.u32 $0x380, s7;
	s12 =	sor.u32 $0x10, s15;
	s30 =	sor.u32 $0x30, s15;
	v18 =	vld.idx.msk [tilespmem:v21+s17+$0x0], $0xffff;
	[tilespmem:s25+$0x100] =	vst v19  }
0x7e: {  	s3 =	sor.u32 $0x20, s15;
	v19 =	vor.u32 $0x200, v2;
	s13 =	sor.u32 s12, s1;
	s14 =	sor.u32 s30, s1;
	v13 =	vld.idx.msk [tilespmem:v13+s17+$0x0], $0xffff;
	[tilespmem:s6+$0x100] =	vst v20  }
0x7f: {  	v21 =	vor.u32 $0x200, v1;
	s1 =	sor.u32 s3, s1;
	v20 =	vld [tilespmem:s14+$0x0];
	[tilespmem:s28+$0x10400] =	vst v14  }
0x80: {  	v14 =	vld [tilespmem:s13+$0x0];
	[tilespmem:s31+$0x10400] =	vst v15  }
0x81: {  	v15 =	vshll.u32 v23, $0x3;
	v22 =	vld [tilespmem:s1+$0x0];
	[tilespmem:s23+$0x10400] =	vst v16  }
0x82: {  	v16 =	vand.u32 $0x7F, v23;
	v15 =	vand.u32 $0xFFFFFC00, v15;
	v12 =	vld.idx.msk [tilespmem:v12+s17+$0x0], $0xffff;
	[tilespmem:s11+$0x180] =	vst v17;
	v17 =	vor.u32 $0x380, v0;
	v0 =	vmovc v1  }
0x83: {  	p1 =	por !p1, !p1;
	s1 =	simm.s32 $0x1;
	v1 =	vor.u32 v16, v15;
	[tilespmem:s5+$0x180] =	vst v18;
	v15 =	vld.idx.msk [tilespmem:v19+s17+$0x0], $0xffff  }
0x84: {  	s1 =	simm.s32 @!p1 $0x0;
	v16 =	vshll.u32 v20, $0x3;
	v18 =	vld.idx.msk [tilespmem:v21+s17+$0x0], $0xffff;
	[tilespmem:s25+$0x180] =	vst v13  }
0x85: {  	s1 =	sshll.u32 s1, $0x6;
	v13 =	vand.u32 $0x7F, v20;
	v16 =	vand.u32 $0xFFFFFC00, v16;
	v19 =	vld.idx.msk [tilespmem:v11+s17+$0x0], $0xffff;
	v11 =	vor.u32 $0x280, v2  }
0x86: {  	s1 =	sadd.s32 s1, s0;
	v20 =	vshll.u32 v14, $0x3;
	v21 =	vshll.u32 v22, $0x3;
	v16 =	vor.u32 v13, v16;
	v23 =	vld.idx.msk [tilespmem:v3+s17+$0x0], $0xffff;
	v3 =	vmovc v10  }
0x87: {  	s5 =	sadd.s32 $0x10, s1;
	s11 =	sadd.s32 $0x20, s1;
	s13 =	sadd.s32 $0x30, s1;
	v10 =	vand.u32 $0x7F, v14;
	v13 =	vand.u32 $0xFFFFFC00, v20;
	v14 =	vand.u32 $0xFFFFFC00, v21;
	v17 =	vld.idx.msk [tilespmem:v17+s17+$0x0], $0xffff  }
0x88: {  	s23 =	sor.u32 $0x200, s5;
	s14 =	sor.u32 $0x200, s13;
	v10 =	vor.u32 v10, v13;
	v13 =	vand.u32 $0x7F, v22;
	v21 =	vor.u32 $0x280, v0;
	v20 =	vld.idx.msk [tilespmem:v1+s17+$0x0], $0xffff;
	[tilespmem:s6+$0x180] =	vst v12;
	s6 =	sor.u32 $0x200, s11  }
0x89: {  	s22 =	sor.u32 $0x200, s1;
	s26 =	sor.u32 $0x280, s5;
	s24 =	sor.u32 $0x280, s11;
	v22 =	vor.u32 $0x80, v10;
	v24 =	vor.u32 $0x100, v10;
	v14 =	vor.u32 v13, v14;
	v25 =	vld.idx.msk [tilespmem:v9+s17+$0x0], $0xffff;
	[tilespmem:s14+$0x10400] =	vst v15  }
0x8a: {  	s28 =	sor.u32 $0x300, s11;
	v13 =	vor.u32 $0x180, v10;
	v15 =	vor.u32 $0x80, v14;
	v26 =	vor.u32 $0x100, v14;
	s14 =	sor.u32 $0x300, s5;
	[tilespmem:s22+$0x10400] =	vst v18;
	s22 =	sor.u32 $0x280, s1;
	v18 =	vld.idx.msk [tilespmem:v11+s17+$0x0], $0xffff  }
0x8b: {  	s31 =	sor.u32 $0x300, s1;
	v12 =	vor.u32 $0x180, v14;
	v9 =	vor.u32 $0x200, v14;
	v11 =	vor.u32 $0x200, v10;
	s1 =	sor.u32 $0x380, s11;
	v27 =	vld.idx.msk [tilespmem:v16+s17+$0x0], $0xffff;
	[tilespmem:s23+$0x10400] =	vst v19;
	s23 =	sor.u32 $0x380, s5  }
0x8c: {  	v29 =	vor.u32 $0x300, v2;
	v19 =	vor.u32 $0x280, v14;
	v28 =	vld.idx.msk [tilespmem:v8+s17+$0x0], $0xffff;
	v8 =	vor.u32 $0x280, v10;
	[tilespmem:s21+$0x10400] =	vst v23;
	s21 =	smov.u32 s1  }
0x8d: {  	s0 =	sadd.s32 $0x200, s0;
	v32 =	vor.u32 $0x80, v16;
	v30 =	vor.u32 $0x300, v10;
	v31 =	vor.u32 $0x300, v14;
	v23 =	vld.idx.msk [tilespmem:v10+s17+$0x0], $0xffff;
	[tilespmem:s16+$0x10400] =	vst v17;
	s16 =	smov.u32 s2  }
0x8e: {  	v33 =	vor.u32 $0x380, v10;
	s1 =	sand.u32 $0x1C00, s0;
	v17 =	vor.u32 $0x80, v1;
	s2 =	sor.u32 s0, s7;
	v10 =	vor.u32 $0x380, v14;
	v34 =	vld.idx.msk [tilespmem:v14+s17+$0x0], $0xffff  }
0x8f: {  	s5 =	sor.u32 $0x280, s13;
	s1 =	sadd.s32 $0x10400, s1;
	s2 =	sor.u32 $0x380, s2;
	v35 =	vld.idx.msk [tilespmem:v21+s17+$0x0], $0xffff;
	[tilespmem:s6+$0x10400] =	vst v25  }
0x90: {  	s25 =	sor.u32 s12, s1;
	s11 =	sor.u32 s30, s1;
	s6 =	sor.u32 s3, s1;
	v14 =	vld.idx.msk [tilespmem:v7+s17+$0x0], $0xffff;
	[tilespmem:s5+$0x10400] =	vst v18;
	v7 =	vmov v19  }
0x91: {  	s5 =	sor.u32 s15, s1;
	[tilespmem:s11+$0x0] =	vst v27;
	v18 =	vld.idx.msk [tilespmem:v29+s17+$0x0], $0xffff  }
0x92: {  	[tilespmem:s5+$0x0] =	vst v20;
	v19 =	vld.idx.msk [tilespmem:v32+s17+$0x0], $0xffff  }
0x93: {  	v20 =	vor.u32 $0x380, v2;
	v2 =	vmov v16;
	v17 =	vld.idx.msk [tilespmem:v17+s17+$0x0], $0xffff;
	[tilespmem:s25+$0x0] =	vst v23  }
0x94: {  	v21 =	vor.u32 $0x100, v2;
	v16 =	vld.idx.msk [tilespmem:v22+s17+$0x0], $0xffff;
	[tilespmem:s6+$0x0] =	vst v34  }
0x95: {  	v22 =	vor.u32 $0x100, v1;
	v15 =	vld.idx.msk [tilespmem:v15+s17+$0x0], $0xffff;
	[tilespmem:s26+$0x10400] =	vst v28  }
0x96: {  	s1 =	sor.u32 $0x300, s13;
	v23 =	vld.idx.msk [tilespmem:v6+s17+$0x0], $0xffff;
	[tilespmem:s24+$0x10400] =	vst v14;
	v6 =	vmov v30  }
0x97: {  	v14 =	vld.idx.msk [tilespmem:v5+s17+$0x0], $0xffff;
	[tilespmem:s1+$0x10400] =	vst v18;
	v5 =	vmov v31  }
0x98: {  	v25 =	vor.u32 $0x300, v0;
	[tilespmem:s11+$0x80] =	vst v19;
	v27 =	vld.idx.msk [tilespmem:v20+s17+$0x0], $0xffff  }
0x99: {  	[tilespmem:s5+$0x80] =	vst v17;
	v18 =	vld.idx.msk [tilespmem:v21+s17+$0x0], $0xffff  }
.Ltmp2:
0x9a: {  	v17 =	vld.idx.msk [tilespmem:v22+s17+$0x0], $0xffff;
	[tilespmem:s25+$0x80] =	vst v16;
	(pc) =	sbr.rel @p2 .LBB2_3-.Ltmp2, $4  }
0x9b: {  	v22 =	vor.u32 $0x180, v2;
	v19 =	vld.idx.msk [tilespmem:v24+s17+$0x0], $0xffff;
	[tilespmem:s6+$0x80] =	vst v15  }
0x9c: {  	v21 =	vor.u32 $0x180, v1;
	v20 =	vld.idx.msk [tilespmem:v26+s17+$0x0], $0xffff;
	[tilespmem:s22+$0x10400] =	vst v35  }
0x9d: {  	s1 =	sor.u32 $0x380, s13;
	v15 =	vld.idx.msk [tilespmem:v25+s17+$0x0], $0xffff;
	[tilespmem:s14+$0x10400] =	vst v23  }
0x9e: {  	s8 =	sadd.s32 $0x40, s8;
	v16 =	vld.idx.msk [tilespmem:v4+s17+$0x0], $0xffff;
	[tilespmem:s1+$0x10400] =	vst v27;
	v4 =	vmov v33  }
0x9f: {  	_ =	sdelay $0x2  }
0xa0: {  	[tilespmem:s11+$0x100] =	vst v18  }
0xa1: {  	v18 =	vld.idx.msk [tilespmem:v22+s17+$0x0], $0xffff;
	[tilespmem:s25+$0x100] =	vst v19  }
0xa2: {  	[tilespmem:s5+$0x100] =	vst v17;
	v19 =	vor.u32 $0x200, v2;
	v13 =	vld.idx.msk [tilespmem:v13+s17+$0x0], $0xffff  }
0xa3: {  	v17 =	vld.idx.msk [tilespmem:v21+s17+$0x0], $0xffff;
	[tilespmem:s6+$0x100] =	vst v20  }
0xa4: {  	v20 =	vor.u32 $0x200, v1;
	v12 =	vld.idx.msk [tilespmem:v12+s17+$0x0], $0xffff;
	_ =	sdelay $0x1  }
0xa5: {  	p1 =	por !p1, !p1;
	s1 =	simm.s32 $0x1;
	[tilespmem:s11+$0x180] =	vst v18  }
0xa6: {  	s1 =	simm.s32 @!p1 $0x0;
	v18 =	vld.idx.msk [tilespmem:v19+s17+$0x0], $0xffff;
	[tilespmem:s25+$0x180] =	vst v13  }
0xa7: {  	s1 =	sshll.u32 s1, $0x6;
	[tilespmem:s5+$0x180] =	vst v17;
	v13 =	vor.u32 $0x280, v2;
	v11 =	vld.idx.msk [tilespmem:v11+s17+$0x0], $0xffff  }
0xa8: {  	s0 =	sadd.s32 s1, s0;
	[tilespmem:s6+$0x180] =	vst v12;
	v12 =	vld.idx.msk [tilespmem:v20+s17+$0x0], $0xffff  }
0xa9: {  	s1 =	sadd.s32 $0x30, s0;
	v17 =	vor.u32 $0x280, v1;
	v9 =	vld.idx.msk [tilespmem:v9+s17+$0x0], $0xffff  }
0xaa: {  	s3 =	sadd.s32 $0x10, s0;
	s11 =	sor.u32 $0x200, s1  }
0xab: {  	s7 =	sor.u32 $0x200, s3;
	[tilespmem:s11+$0x10400] =	vst v18  }
0xac: {  	s13 =	sor.u32 $0x200, s0;
	s6 =	sadd.s32 $0x20, s0;
	v13 =	vld.idx.msk [tilespmem:v13+s17+$0x0], $0xffff;
	[tilespmem:s7+$0x10400] =	vst v11  }
0xad: {  	s12 =	sor.u32 $0x200, s6;
	v11 =	vor.u32 $0x300, v2;
	[tilespmem:s13+$0x10400] =	vst v12;
	v8 =	vld.idx.msk [tilespmem:v8+s17+$0x0], $0xffff  }
0xae: {  	[tilespmem:s12+$0x10400] =	vst v9;
	v9 =	vld.idx.msk [tilespmem:v17+s17+$0x0], $0xffff  }
0xaf: {  	v12 =	vor.u32 $0x300, v1;
	v7 =	vld.idx.msk [tilespmem:v7+s17+$0x0], $0xffff  }
0xb0: {  	[tilespmem:s28+$0x10400] =	vst v14;
	s14 =	sor.u32 $0x280, s1  }
0xb1: {  	s15 =	sor.u32 $0x280, s3;
	[tilespmem:s14+$0x10400] =	vst v13  }
0xb2: {  	v0 =	vor.u32 $0x380, v0;
	s24 =	sor.u32 $0x280, s0;
	v11 =	vld.idx.msk [tilespmem:v11+s17+$0x0], $0xffff;
	[tilespmem:s15+$0x10400] =	vst v8  }
0xb3: {  	s22 =	sor.u32 $0x280, s6;
	v2 =	vor.u32 $0x380, v2;
	[tilespmem:s24+$0x10400] =	vst v9;
	v6 =	vld.idx.msk [tilespmem:v6+s17+$0x0], $0xffff  }
0xb4: {  	[tilespmem:s22+$0x10400] =	vst v7;
	v7 =	vld.idx.msk [tilespmem:v12+s17+$0x0], $0xffff  }
0xb5: {  	[tilespmem:s31+$0x10400] =	vst v15;
	v1 =	vor.u32 $0x380, v1;
	v5 =	vld.idx.msk [tilespmem:v5+s17+$0x0], $0xffff  }
0xb6: {  	v3 =	vld.idx.msk [tilespmem:v3+s17+$0x0], $0xffff;
	[tilespmem:s23+$0x10400] =	vst v16;
	s25 =	sor.u32 $0x300, s1  }
0xb7: {  	v0 =	vld.idx.msk [tilespmem:v0+s17+$0x0], $0xffff;
	s26 =	sor.u32 $0x300, s3;
	[tilespmem:s25+$0x10400] =	vst v11  }
0xb8: {  	s0 =	sor.u32 $0x300, s0;
	v2 =	vld.idx.msk [tilespmem:v2+s17+$0x0], $0xffff;
	[tilespmem:s26+$0x10400] =	vst v6  }
0xb9: {  	s4 =	sor.u32 $0x300, s6;
	[tilespmem:s0+$0x10400] =	vst v7;
	v4 =	vld.idx.msk [tilespmem:v4+s17+$0x0], $0xffff  }
0xba: {  	[tilespmem:s4+$0x10400] =	vst v5;
	v1 =	vld.idx.msk [tilespmem:v1+s17+$0x0], $0xffff  }
0xbb: {  	[tilespmem:s21+$0x10400] =	vst v3;
	v5 =	vld.idx.msk [tilespmem:v10+s17+$0x0], $0xffff  }
0xbc: {  	s8 =	sor.u32 $0x380, s1;
	[tilespmem:s16+$0x10400] =	vst v0  }
0xbd: {  	s11 =	sor.u32 $0x380, s3;
	[tilespmem:s8+$0x10400] =	vst v2  }
0xbe: {  	[tilespmem:s11+$0x10400] =	vst v4  }
0xbf: {  	s12 =	sor.u32 $0x380, s6;
	[tilespmem:s2+$0x10400] =	vst v1  }
0xc0: {  	[tilespmem:s12+$0x10400] =	vst v5  }
0xc1: {  	s13 =	sshll.u32 s9, $0xC;
	s1 =	rddreg [dreg:$0xa]  }
0xc2: {  	s14 =	simm.s32 $0x10400;
	s0 =	sadd.s32 s13, s1  }
0xc3: {  	[hbm4b:s0+s29] =	stream.linear.scatter [tilespmem:s14], [sflag:$0x5], $0x2000, $0x38;
	[tilespmem:$0x18400] =	vst v63  }
0xc4: {  	p1 =	seq.s32 s9, $0xF;
	s0 =	rddreg [dreg:$0xb]  }
0xc5: {  	s0 =	sadd.s32 @!p1 s10, s0  }
0xc6: {  	s0 =	sshll.u32 @!p1 s0, $0xB  }
0xc7: {  	s15 =	simm.s32 $0x2;
	s1 =	rddreg [dreg:$0x0];
	s0 =	sand.u32 @!p1 $0x1FFFE000, s0  }
0xc8: {  	s2 =	simm.s32 @!p1 $0x400;
	s0 =	sadd.s32 @!p1 s1, s0;
	s1 =	simm.s32 @!p1 $0x0  }
0xc9: {  	[tilespmem:s2], [sflag:$0x1] =	stream.linear.gather @!p1 [hbm4b:s0+s1], $0x4000, $0x38;
	[tilespmem:$0x18400] =	vst v63  }
0xca: {  	_ =	swait.ge [sflag:s15], $0x4000  }
0xcb: {  	[sflag:s15] =	ssyncset.done $0x0  }
0xcc: {  	s1 =	simm.s32 @!p0 $0x6;
	s0 =	simm.s32 $0x0;
	[sflag:s15] =	ssyncadd.s32 $0xFFFFC000  }
0xcd: {  	s16 =	sand.u32 $0x40, s0;
	_ =	swait.ge @!p0 [sflag:s1], $0x2000  }
0xce: {  	s21 =	sand.u32 $0x380, s0;
	s22 =	sor.u32 $0x30, s16;
	[sflag:s1] =	ssyncset.done @!p0 $0x0  }
0xcf: {  	s23 =	sor.u32 s22, s21;
	[sflag:s1] =	ssyncadd.s32 @!p0 $0xFFFFE000  }
0xd0: {  	s2 =	simm.s32 $0x0;
	v0 =	vld [tilespmem:s23+$0x0]  }
0xd1: {  	s24 =	sor.u32 $0x10, s16;
	v1 =	vld [tilespmem:s2+$0x0]  }
0xd2: {  	s8 =	sor.u32 $0x20, s16;
	s25 =	sor.u32 s24, s21  }
0xd3: {  	s5 =	sor.u32 s8, s21;
	v2 =	vld [tilespmem:s25+$0x0]  }
0xd4: {  	v3 =	vld [tilespmem:s5+$0x0]  }
0xd5: {  	v4 =	vshll.u32 v0, $0x3  }
0xd6: {  	v5 =	vshll.u32 v1, $0x3;
	v0 =	vand.u32 $0x7F, v0;
	v4 =	vand.u32 $0xFFFFFC00, v4  }
0xd7: {  	v1 =	vand.u32 $0x7F, v1;
	v6 =	vand.u32 $0xFFFFFC00, v5;
	v5 =	vor.u32 v0, v4  }
0xd8: {  	v0 =	vor.u32 v1, v6;
	v1 =	vshll.u32 v2, $0x3  }
0xd9: {  	v4 =	vshll.u32 v3, $0x3;
	v2 =	vand.u32 $0x7F, v2;
	v1 =	vand.u32 $0xFFFFFC00, v1  }
0xda: {  	v6 =	vand.u32 $0xFFFFFC00, v4;
	v4 =	vor.u32 v2, v1;
	v1 =	vand.u32 $0x7F, v3  }
0xdb: {  	v3 =	vor.u32 v1, v6  }
0xdc: {  	v1 =	vld.idx.msk [tilespmem:v5+s18+$0x0], $0xffff  }
0xdd: {  	v6 =	vor.u32 $0x80, v5;
	v2 =	vld.idx.msk [tilespmem:v0+s18+$0x0], $0xffff  }
0xde: {  	s26 =	sand.u32 $0x1C00, s2;
	v7 =	vor.u32 $0x80, v0  }
0xdf: {  	s5 =	sadd.s32 $0x12400, s26;
	v8 =	vld.idx.msk [tilespmem:v4+s18+$0x0], $0xffff  }
0xe0: {  	s6 =	sor.u32 s22, s5;
	v9 =	vor.u32 $0x80, v4;
	v10 =	vld.idx.msk [tilespmem:v3+s18+$0x0], $0xffff  }
0xe1: {  	s3 =	sor.u32 s16, s5;
	v11 =	vor.u32 $0x80, v3;
	[tilespmem:s6+$0x0] =	vst v1  }
0xe2: {  	[tilespmem:s3+$0x0] =	vst v2;
	v1 =	vld.idx.msk [tilespmem:v6+s18+$0x0], $0xffff  }
0xe3: {  	s12 =	sor.u32 s24, s5;
	v2 =	vld.idx.msk [tilespmem:v7+s18+$0x0], $0xffff;
	v6 =	vor.u32 $0x100, v5  }
0xe4: {  	s29 =	sor.u32 s8, s5;
	v7 =	vor.u32 $0x100, v0;
	[tilespmem:s12+$0x0] =	vst v8  }
0xe5: {  	v8 =	vld.idx.msk [tilespmem:v9+s18+$0x0], $0xffff;
	[tilespmem:s29+$0x0] =	vst v10  }
0xe6: {  	v9 =	vor.u32 $0x100, v4;
	v10 =	vld.idx.msk [tilespmem:v11+s18+$0x0], $0xffff  }
0xe7: {  	v11 =	vor.u32 $0x100, v3;
	[tilespmem:s6+$0x80] =	vst v1  }
0xe8: {  	[tilespmem:s3+$0x80] =	vst v2;
	v1 =	vld.idx.msk [tilespmem:v6+s18+$0x0], $0xffff  }
0xe9: {  	v2 =	vld.idx.msk [tilespmem:v7+s18+$0x0], $0xffff;
	v6 =	vor.u32 $0x180, v5  }
0xea: {  	v7 =	vor.u32 $0x180, v0;
	[tilespmem:s12+$0x80] =	vst v8  }
0xeb: {  	v8 =	vld.idx.msk [tilespmem:v9+s18+$0x0], $0xffff;
	[tilespmem:s29+$0x80] =	vst v10  }
0xec: {  	s7 =	simm.s32 $0x40;
	s4 =	simm.s32 $0x40;
	v9 =	vor.u32 $0x180, v4;
	v10 =	vld.idx.msk [tilespmem:v11+s18+$0x0], $0xffff  }
0xed: {  	s8 =	sand.u32 $0x40, s7;
	v11 =	vld [tilespmem:s4+$0x0];
	[tilespmem:s6+$0x100] =	vst v1  }
0xee: {  	s13 =	sand.u32 $0x380, s7;
	s21 =	sor.u32 $0x30, s8;
	[tilespmem:s3+$0x100] =	vst v2;
	v1 =	vld.idx.msk [tilespmem:v6+s18+$0x0], $0xffff  }
0xef: {  	s14 =	sor.u32 s21, s13;
	v2 =	vor.u32 $0x180, v3;
	v6 =	vld.idx.msk [tilespmem:v7+s18+$0x0], $0xffff  }
0xf0: {  	s22 =	sor.u32 $0x10, s8;
	v7 =	vor.u32 $0x200, v5;
	[tilespmem:s12+$0x100] =	vst v8;
	v8 =	vld [tilespmem:s14+$0x0]  }
0xf1: {  	s23 =	sor.u32 $0x20, s8;
	s15 =	sor.u32 s22, s13;
	v9 =	vld.idx.msk [tilespmem:v9+s18+$0x0], $0xffff  }
0xf2: {  	s13 =	sor.u32 s23, s13;
	v13 =	vld [tilespmem:s15+$0x0];
	v12 =	vor.u32 $0x200, v4;
	v14 =	vshll.u32 v11, $0x3  }
0xf3: {  	v15 =	vld [tilespmem:s13+$0x0];
	[tilespmem:s29+$0x100] =	vst v10;
	v10 =	vor.u32 $0x200, v0;
	v11 =	vand.u32 $0x7F, v11;
	v14 =	vand.u32 $0xFFFFFC00, v14  }
0xf4: {  	p2 =	por $0x0, $0x0;
	v16 =	vld.idx.msk [tilespmem:v2+s18+$0x0], $0xffff;
	[tilespmem:s6+$0x180] =	vst v1;
	v1 =	vor.u32 v11, v14;
	s6 =	simm.s32 $0x1  }
0xf5: {  	v11 =	vor.u32 $0x200, v3;
	v7 =	vld.idx.msk [tilespmem:v7+s18+$0x0], $0xffff;
	v2 =	vshll.u32 v8, $0x3;
	s6 =	simm.s32 @!p2 $0x0  }
0xf6: {  	v8 =	vand.u32 $0x7F, v8;
	[tilespmem:s12+$0x180] =	vst v9;
	v2 =	vand.u32 $0xFFFFFC00, v2;
	s6 =	sshll.u32 s6, $0x6;
	v9 =	vor.u32 $0x280, v5  }
0xf7: {  	v14 =	vor.u32 $0x280, v4;
	[tilespmem:s3+$0x180] =	vst v6;
	v6 =	vld.idx.msk [tilespmem:v12+s18+$0x0], $0xffff;
	v12 =	vshll.u32 v13, $0x3;
	v2 =	vor.u32 v8, v2;
	s6 =	sadd.s32 $0x0, s6  }
0xf8: {  	v8 =	vld.idx.msk [tilespmem:v10+s18+$0x0], $0xffff;
	v10 =	vshll.u32 v15, $0x3;
	v13 =	vand.u32 $0x7F, v13;
	v12 =	vand.u32 $0xFFFFFC00, v12;
	s3 =	sadd.s32 $0x30, s6  }
0xf9: {  	v10 =	vand.u32 $0xFFFFFC00, v10;
	[tilespmem:s29+$0x180] =	vst v16;
	v17 =	vld.idx.msk [tilespmem:v1+s18+$0x0], $0xffff;
	v21 =	vor.u32 v13, v12;
	v12 =	vand.u32 $0x7F, v15;
	s24 =	sor.u32 $0x200, s3  }
0xfa: {  	s12 =	sadd.s32 $0x10, s6;
	v11 =	vld.idx.msk [tilespmem:v11+s18+$0x0], $0xffff;
	v10 =	vor.u32 v12, v10;
	[tilespmem:s24+$0x12400] =	vst v7  }
0xfb: {  	s25 =	sor.u32 $0x200, s12;
	v7 =	vor.u32 $0x280, v0;
	v9 =	vld.idx.msk [tilespmem:v9+s18+$0x0], $0xffff  }
0xfc: {  	s31 =	simm.s32 $0x200;
	s26 =	sor.u32 $0x200, s6;
	v12 =	vor.u32 $0x280, v3;
	v13 =	vld.idx.msk [tilespmem:v2+s18+$0x0], $0xffff;
	[tilespmem:s25+$0x12400] =	vst v6  }
0xfd: {  	s4 =	sand.u32 $0x1C00, s31;
	s13 =	sadd.s32 $0x20, s6;
	[tilespmem:s26+$0x12400] =	vst v8;
	v8 =	vor.u32 $0x80, v1;
	v6 =	vld.idx.msk [tilespmem:v14+s18+$0x0], $0xffff  }
0xfe: {  	s1 =	sadd.s32 $0x12400, s4;
	s29 =	sor.u32 $0x200, s13;
	v14 =	vor.u32 $0x300, v5;
	v15 =	vld.idx.msk [tilespmem:v21+s18+$0x0], $0xffff  }
0xff: {  	s5 =	sor.u32 s8, s1;
	v16 =	vor.u32 $0x80, v2;
	[tilespmem:s29+$0x12400] =	vst v11;
	v18 =	vld.idx.msk [tilespmem:v10+s18+$0x0], $0xffff  }
0x100: {  	s16 =	sor.u32 $0x280, s3;
	v19 =	vor.u32 $0x80, v21;
	[tilespmem:s5+$0x0] =	vst v17;
	v7 =	vld.idx.msk [tilespmem:v7+s18+$0x0], $0xffff  }
0x101: {  	s11 =	sor.u32 s21, s1;
	v11 =	vor.u32 $0x80, v10;
	v12 =	vld.idx.msk [tilespmem:v12+s18+$0x0], $0xffff;
	[tilespmem:s16+$0x12400] =	vst v9  }
0x102: {  	s21 =	sor.u32 $0x280, s12;
	v9 =	vor.u32 $0x300, v4;
	[tilespmem:s11+$0x0] =	vst v13;
	v8 =	vld.idx.msk [tilespmem:v8+s18+$0x0], $0xffff  }
0x103: {  	s30 =	sor.u32 s22, s1;
	v13 =	vld.idx.msk [tilespmem:v14+s18+$0x0], $0xffff;
	v14 =	vor.u32 $0x300, v3;
	[tilespmem:s21+$0x12400] =	vst v6  }
0x104: {  	s8 =	sor.u32 s23, s1;
	v5 =	vor.u32 $0x380, v5;
	v16 =	vld.idx.msk [tilespmem:v16+s18+$0x0], $0xffff;
	[tilespmem:s30+$0x0] =	vst v15  }
0x105: {  	s22 =	sor.u32 $0x280, s13;
	v17 =	vor.u32 $0x100, v2;
	v15 =	vld.idx.msk [tilespmem:v19+s18+$0x0], $0xffff;
	[tilespmem:s8+$0x0] =	vst v18  }
0x106: {  	v19 =	vor.u32 $0x100, v1;
	[tilespmem:s22+$0x12400] =	vst v12;
	v20 =	vld.idx.msk [tilespmem:v11+s18+$0x0], $0xffff  }
0x107: {  	s23 =	sor.u32 $0x300, s3;
	v6 =	vor.u32 $0x100, v21;
	v22 =	vld.idx.msk [tilespmem:v9+s18+$0x0], $0xffff;
	[tilespmem:s5+$0x80] =	vst v8  }
0x108: {  	v23 =	vor.u32 $0x100, v10;
	v14 =	vld.idx.msk [tilespmem:v14+s18+$0x0], $0xffff;
	[tilespmem:s23+$0x12400] =	vst v13  }
0x109: {  	[tilespmem:s11+$0x80] =	vst v16;
	v16 =	vor.u32 $0x300, v0;
	v24 =	vld.idx.msk [tilespmem:v5+s18+$0x0], $0xffff  }
0x10a: {  	s0 =	sor.u32 s2, s0;
	v25 =	vor.u32 $0x380, v4;
	v18 =	vld.idx.msk [tilespmem:v17+s18+$0x0], $0xffff;
	s4 =	rddreg [dreg:$0x4];
	[tilespmem:s30+$0x80] =	vst v15  }
0x10b: {  	s0 =	sor.u32 $0x380, s0;
	s26 =	sor.u32 $0x300, s12;
	v4 =	vor.u32 $0x380, v21;
	v17 =	vld.idx.msk [tilespmem:v19+s18+$0x0], $0xffff;
	[tilespmem:s8+$0x80] =	vst v20  }
0x10c: {  	s15 =	sor.u32 $0x300, s13;
	s28 =	sor.u32 $0x380, s12;
	s25 =	sor.u32 $0x280, s6;
	v11 =	vor.u32 $0x200, v21;
	v8 =	vor.u32 $0x280, v21;
	v19 =	vld.idx.msk [tilespmem:v6+s18+$0x0], $0xffff;
	[tilespmem:s26+$0x12400] =	vst v22;
	v22 =	vor.u32 $0x180, v2  }
0x10d: {  	s3 =	sor.u32 $0x380, s3;
	s2 =	sor.u32 $0x380, s13;
	s24 =	sshll.u32 s9, $0x5;
	v13 =	vor.u32 $0x180, v21;
	[tilespmem:s25+$0x12400] =	vst v7;
	v6 =	vor.u32 $0x300, v21;
	v21 =	vor.u32 $0x180, v1;
	v20 =	vld.idx.msk [tilespmem:v23+s18+$0x0], $0xffff  }
0x10e: {  	s29 =	sor.u32 s31, s7;
	v3 =	vor.u32 $0x380, v3;
	v12 =	vor.u32 $0x180, v10;
	v9 =	vor.u32 $0x200, v10;
	s23 =	simm.s32 $0x80;
	s16 =	sadd.s32 s24, s4;
	v15 =	vld.idx.msk [tilespmem:v16+s18+$0x0], $0xffff  }
0x10f: {  	s25 =	sor.u32 $0x300, s6;
	v7 =	vor.u32 $0x280, v10;
	v5 =	vor.u32 $0x300, v10;
	v10 =	vor.u32 $0x380, v10;
	s6 =	sor.u32 $0x380, s29;
	s21 =	sadd.s32 $0x8, s16;
	v16 =	vld.idx.msk [tilespmem:v25+s18+$0x0], $0xffff;
	[tilespmem:s3+$0x12400] =	vst v24  }
.LBB2_5:
0x110: {  	s7 =	sadd.s32 $0x40, s7;
	v23 =	vld [tilespmem:s23+$0x0];
	[tilespmem:s11+$0x100] =	vst v18  }
0x111: {  	s12 =	sand.u32 $0x40, s7;
	p3 =	slt.u32 s7, $0x3C0;
	[tilespmem:s5+$0x100] =	vst v17;
	v17 =	vld.idx.msk [tilespmem:v22+s18+$0x0], $0xffff  }
0x112: {  	s1 =	sand.u32 $0x380, s7;
	s13 =	sor.u32 $0x10, s12;
	s14 =	sor.u32 $0x30, s12;
	v18 =	vld.idx.msk [tilespmem:v21+s18+$0x0], $0xffff;
	[tilespmem:s30+$0x100] =	vst v19  }
0x113: {  	s22 =	sor.u32 $0x20, s12;
	v19 =	vor.u32 $0x200, v2;
	s3 =	sor.u32 s13, s1;
	s24 =	sor.u32 s14, s1;
	v13 =	vld.idx.msk [tilespmem:v13+s18+$0x0], $0xffff;
	[tilespmem:s8+$0x100] =	vst v20  }
0x114: {  	v21 =	vor.u32 $0x200, v1;
	s1 =	sor.u32 s22, s1;
	v20 =	vld [tilespmem:s24+$0x0];
	[tilespmem:s15+$0x12400] =	vst v14  }
0x115: {  	v14 =	vld [tilespmem:s3+$0x0];
	[tilespmem:s25+$0x12400] =	vst v15  }
0x116: {  	v15 =	vshll.u32 v23, $0x3;
	v22 =	vld [tilespmem:s1+$0x0];
	[tilespmem:s28+$0x12400] =	vst v16  }
0x117: {  	v16 =	vand.u32 $0x7F, v23;
	v15 =	vand.u32 $0xFFFFFC00, v15;
	v12 =	vld.idx.msk [tilespmem:v12+s18+$0x0], $0xffff;
	[tilespmem:s11+$0x180] =	vst v17;
	v17 =	vor.u32 $0x380, v0;
	v0 =	vmovc v1  }
0x118: {  	p2 =	por !p2, !p2;
	s1 =	simm.s32 $0x1;
	v1 =	vor.u32 v16, v15;
	[tilespmem:s5+$0x180] =	vst v18;
	v15 =	vld.idx.msk [tilespmem:v19+s18+$0x0], $0xffff  }
0x119: {  	s1 =	simm.s32 @!p2 $0x0;
	v16 =	vshll.u32 v20, $0x3;
	v18 =	vld.idx.msk [tilespmem:v21+s18+$0x0], $0xffff;
	[tilespmem:s30+$0x180] =	vst v13  }
0x11a: {  	s1 =	sshll.u32 s1, $0x6;
	v13 =	vand.u32 $0x7F, v20;
	v16 =	vand.u32 $0xFFFFFC00, v16;
	v19 =	vld.idx.msk [tilespmem:v11+s18+$0x0], $0xffff;
	v11 =	vor.u32 $0x280, v2  }
0x11b: {  	s5 =	sadd.s32 s1, s31;
	v20 =	vshll.u32 v14, $0x3;
	v21 =	vshll.u32 v22, $0x3;
	v16 =	vor.u32 v13, v16;
	v23 =	vld.idx.msk [tilespmem:v3+s18+$0x0], $0xffff;
	v3 =	vmovc v10  }
0x11c: {  	s11 =	sadd.s32 $0x10, s5;
	s30 =	sadd.s32 $0x20, s5;
	s3 =	sadd.s32 $0x30, s5;
	v10 =	vand.u32 $0x7F, v14;
	v13 =	vand.u32 $0xFFFFFC00, v20;
	v14 =	vand.u32 $0xFFFFFC00, v21;
	v17 =	vld.idx.msk [tilespmem:v17+s18+$0x0], $0xffff  }
0x11d: {  	s28 =	sor.u32 $0x200, s11;
	s15 =	sor.u32 $0x200, s3;
	v10 =	vor.u32 v10, v13;
	v13 =	vand.u32 $0x7F, v22;
	v21 =	vor.u32 $0x280, v0;
	v20 =	vld.idx.msk [tilespmem:v1+s18+$0x0], $0xffff;
	[tilespmem:s8+$0x180] =	vst v12;
	s8 =	sor.u32 $0x200, s30  }
0x11e: {  	s24 =	sor.u32 $0x200, s5;
	s1 =	sor.u32 $0x280, s11;
	s29 =	sor.u32 $0x280, s30;
	v22 =	vor.u32 $0x80, v10;
	v24 =	vor.u32 $0x100, v10;
	v14 =	vor.u32 v13, v14;
	v25 =	vld.idx.msk [tilespmem:v9+s18+$0x0], $0xffff;
	[tilespmem:s15+$0x12400] =	vst v15  }
0x11f: {  	s26 =	sor.u32 $0x280, s5;
	v13 =	vor.u32 $0x180, v10;
	v15 =	vor.u32 $0x80, v14;
	v26 =	vor.u32 $0x100, v14;
	s15 =	sor.u32 $0x300, s30;
	[tilespmem:s24+$0x12400] =	vst v18;
	s24 =	sor.u32 $0x300, s11;
	v18 =	vld.idx.msk [tilespmem:v11+s18+$0x0], $0xffff  }
0x120: {  	s25 =	sor.u32 $0x300, s5;
	s5 =	sor.u32 $0x380, s30;
	v12 =	vor.u32 $0x180, v14;
	v9 =	vor.u32 $0x200, v14;
	v11 =	vor.u32 $0x200, v10;
	v27 =	vld.idx.msk [tilespmem:v16+s18+$0x0], $0xffff;
	[tilespmem:s28+$0x12400] =	vst v19;
	s28 =	sor.u32 $0x380, s11  }
0x121: {  	v29 =	vor.u32 $0x300, v2;
	v19 =	vor.u32 $0x280, v14;
	v28 =	vld.idx.msk [tilespmem:v8+s18+$0x0], $0xffff;
	v8 =	vor.u32 $0x280, v10;
	[tilespmem:s2+$0x12400] =	vst v23;
	s2 =	smov.u32 s5  }
0x122: {  	s31 =	sadd.s32 $0x200, s31;
	v32 =	vor.u32 $0x80, v16;
	v30 =	vor.u32 $0x300, v10;
	v31 =	vor.u32 $0x300, v14;
	v23 =	vld.idx.msk [tilespmem:v10+s18+$0x0], $0xffff;
	[tilespmem:s0+$0x12400] =	vst v17;
	s0 =	smov.u32 s6  }
0x123: {  	v33 =	vor.u32 $0x380, v10;
	s5 =	sand.u32 $0x1C00, s31;
	v17 =	vor.u32 $0x80, v1;
	s6 =	sor.u32 s31, s7;
	v10 =	vor.u32 $0x380, v14;
	v34 =	vld.idx.msk [tilespmem:v14+s18+$0x0], $0xffff  }
0x124: {  	s4 =	sor.u32 $0x280, s3;
	s5 =	sadd.s32 $0x12400, s5;
	s6 =	sor.u32 $0x380, s6;
	v35 =	vld.idx.msk [tilespmem:v21+s18+$0x0], $0xffff;
	[tilespmem:s8+$0x12400] =	vst v25  }
0x125: {  	s30 =	sor.u32 s13, s5;
	s11 =	sor.u32 s14, s5;
	s8 =	sor.u32 s22, s5;
	v14 =	vld.idx.msk [tilespmem:v7+s18+$0x0], $0xffff;
	[tilespmem:s4+$0x12400] =	vst v18;
	v7 =	vmov v19  }
0x126: {  	s5 =	sor.u32 s12, s5;
	[tilespmem:s11+$0x0] =	vst v27;
	v18 =	vld.idx.msk [tilespmem:v29+s18+$0x0], $0xffff  }
0x127: {  	[tilespmem:s5+$0x0] =	vst v20;
	v19 =	vld.idx.msk [tilespmem:v32+s18+$0x0], $0xffff  }
0x128: {  	v20 =	vor.u32 $0x380, v2;
	v2 =	vmov v16;
	v17 =	vld.idx.msk [tilespmem:v17+s18+$0x0], $0xffff;
	[tilespmem:s30+$0x0] =	vst v23  }
0x129: {  	v21 =	vor.u32 $0x100, v2;
	v16 =	vld.idx.msk [tilespmem:v22+s18+$0x0], $0xffff;
	[tilespmem:s8+$0x0] =	vst v34  }
0x12a: {  	v22 =	vor.u32 $0x100, v1;
	v15 =	vld.idx.msk [tilespmem:v15+s18+$0x0], $0xffff;
	[tilespmem:s1+$0x12400] =	vst v28  }
0x12b: {  	s1 =	sor.u32 $0x300, s3;
	v23 =	vld.idx.msk [tilespmem:v6+s18+$0x0], $0xffff;
	[tilespmem:s29+$0x12400] =	vst v14;
	v6 =	vmov v30  }
0x12c: {  	v14 =	vld.idx.msk [tilespmem:v5+s18+$0x0], $0xffff;
	[tilespmem:s1+$0x12400] =	vst v18;
	v5 =	vmov v31  }
0x12d: {  	v25 =	vor.u32 $0x300, v0;
	[tilespmem:s11+$0x80] =	vst v19;
	v27 =	vld.idx.msk [tilespmem:v20+s18+$0x0], $0xffff  }
0x12e: {  	[tilespmem:s5+$0x80] =	vst v17;
	v18 =	vld.idx.msk [tilespmem:v21+s18+$0x0], $0xffff  }
.Ltmp3:
0x12f: {  	v17 =	vld.idx.msk [tilespmem:v22+s18+$0x0], $0xffff;
	[tilespmem:s30+$0x80] =	vst v16;
	(pc) =	sbr.rel @p3 .LBB2_5-.Ltmp3, $4  }
0x130: {  	v22 =	vor.u32 $0x180, v2;
	v19 =	vld.idx.msk [tilespmem:v24+s18+$0x0], $0xffff;
	[tilespmem:s8+$0x80] =	vst v15  }
0x131: {  	v21 =	vor.u32 $0x180, v1;
	v20 =	vld.idx.msk [tilespmem:v26+s18+$0x0], $0xffff;
	[tilespmem:s26+$0x12400] =	vst v35  }
0x132: {  	s1 =	sor.u32 $0x380, s3;
	v15 =	vld.idx.msk [tilespmem:v25+s18+$0x0], $0xffff;
	[tilespmem:s24+$0x12400] =	vst v23  }
0x133: {  	s23 =	sadd.s32 $0x40, s23;
	v16 =	vld.idx.msk [tilespmem:v4+s18+$0x0], $0xffff;
	[tilespmem:s1+$0x12400] =	vst v27;
	v4 =	vmov v33  }
0x134: {  	_ =	sdelay $0x2  }
0x135: {  	[tilespmem:s11+$0x100] =	vst v18  }
0x136: {  	v18 =	vld.idx.msk [tilespmem:v22+s18+$0x0], $0xffff;
	[tilespmem:s30+$0x100] =	vst v19  }
0x137: {  	[tilespmem:s5+$0x100] =	vst v17;
	v19 =	vor.u32 $0x200, v2;
	v13 =	vld.idx.msk [tilespmem:v13+s18+$0x0], $0xffff  }
0x138: {  	v17 =	vld.idx.msk [tilespmem:v21+s18+$0x0], $0xffff;
	[tilespmem:s8+$0x100] =	vst v20  }
0x139: {  	v20 =	vor.u32 $0x200, v1;
	v12 =	vld.idx.msk [tilespmem:v12+s18+$0x0], $0xffff;
	_ =	sdelay $0x1  }
0x13a: {  	p2 =	por !p2, !p2;
	s1 =	simm.s32 $0x1;
	[tilespmem:s11+$0x180] =	vst v18  }
0x13b: {  	s1 =	simm.s32 @!p2 $0x0;
	v18 =	vld.idx.msk [tilespmem:v19+s18+$0x0], $0xffff;
	[tilespmem:s30+$0x180] =	vst v13  }
0x13c: {  	s1 =	sshll.u32 s1, $0x6;
	[tilespmem:s5+$0x180] =	vst v17;
	v13 =	vor.u32 $0x280, v2;
	v11 =	vld.idx.msk [tilespmem:v11+s18+$0x0], $0xffff  }
0x13d: {  	s1 =	sadd.s32 s1, s31;
	[tilespmem:s8+$0x180] =	vst v12;
	v12 =	vld.idx.msk [tilespmem:v20+s18+$0x0], $0xffff  }
0x13e: {  	s3 =	sadd.s32 $0x30, s1;
	v17 =	vor.u32 $0x280, v1;
	v9 =	vld.idx.msk [tilespmem:v9+s18+$0x0], $0xffff  }
0x13f: {  	s4 =	sadd.s32 $0x10, s1;
	s11 =	sor.u32 $0x200, s3  }
0x140: {  	s12 =	sor.u32 $0x200, s4;
	[tilespmem:s11+$0x12400] =	vst v18  }
0x141: {  	s7 =	sadd.s32 $0x20, s1;
	s14 =	sor.u32 $0x200, s1;
	v13 =	vld.idx.msk [tilespmem:v13+s18+$0x0], $0xffff;
	[tilespmem:s12+$0x12400] =	vst v11  }
0x142: {  	s13 =	sor.u32 $0x200, s7;
	v11 =	vor.u32 $0x300, v2;
	[tilespmem:s14+$0x12400] =	vst v12;
	v8 =	vld.idx.msk [tilespmem:v8+s18+$0x0], $0xffff  }
0x143: {  	[tilespmem:s13+$0x12400] =	vst v9;
	v9 =	vld.idx.msk [tilespmem:v17+s18+$0x0], $0xffff  }
0x144: {  	v12 =	vor.u32 $0x300, v1;
	v7 =	vld.idx.msk [tilespmem:v7+s18+$0x0], $0xffff  }
0x145: {  	[tilespmem:s15+$0x12400] =	vst v14;
	s15 =	sor.u32 $0x280, s3  }
0x146: {  	s22 =	sor.u32 $0x280, s4;
	[tilespmem:s15+$0x12400] =	vst v13  }
0x147: {  	v0 =	vor.u32 $0x380, v0;
	s24 =	sor.u32 $0x280, s1;
	v11 =	vld.idx.msk [tilespmem:v11+s18+$0x0], $0xffff;
	[tilespmem:s22+$0x12400] =	vst v8  }
0x148: {  	s23 =	sor.u32 $0x280, s7;
	v2 =	vor.u32 $0x380, v2;
	[tilespmem:s24+$0x12400] =	vst v9;
	v6 =	vld.idx.msk [tilespmem:v6+s18+$0x0], $0xffff  }
0x149: {  	[tilespmem:s23+$0x12400] =	vst v7;
	v7 =	vld.idx.msk [tilespmem:v12+s18+$0x0], $0xffff  }
0x14a: {  	[tilespmem:s25+$0x12400] =	vst v15;
	v1 =	vor.u32 $0x380, v1;
	v5 =	vld.idx.msk [tilespmem:v5+s18+$0x0], $0xffff  }
0x14b: {  	v3 =	vld.idx.msk [tilespmem:v3+s18+$0x0], $0xffff;
	[tilespmem:s28+$0x12400] =	vst v16;
	s25 =	sor.u32 $0x300, s3  }
0x14c: {  	v0 =	vld.idx.msk [tilespmem:v0+s18+$0x0], $0xffff;
	s26 =	sor.u32 $0x300, s4;
	[tilespmem:s25+$0x12400] =	vst v11  }
0x14d: {  	s1 =	sor.u32 $0x300, s1;
	v2 =	vld.idx.msk [tilespmem:v2+s18+$0x0], $0xffff;
	[tilespmem:s26+$0x12400] =	vst v6  }
0x14e: {  	s29 =	sor.u32 $0x300, s7;
	[tilespmem:s1+$0x12400] =	vst v7;
	v4 =	vld.idx.msk [tilespmem:v4+s18+$0x0], $0xffff  }
0x14f: {  	[tilespmem:s29+$0x12400] =	vst v5;
	v1 =	vld.idx.msk [tilespmem:v1+s18+$0x0], $0xffff  }
0x150: {  	[tilespmem:s2+$0x12400] =	vst v3;
	v5 =	vld.idx.msk [tilespmem:v10+s18+$0x0], $0xffff  }
0x151: {  	[tilespmem:s0+$0x12400] =	vst v0;
	s1 =	sor.u32 $0x380, s3  }
0x152: {  	s2 =	sor.u32 $0x380, s4;
	[tilespmem:s1+$0x12400] =	vst v2  }
0x153: {  	[tilespmem:s2+$0x12400] =	vst v4  }
0x154: {  	s4 =	sshll.u32 s21, $0x7;
	s5 =	rddreg [dreg:$0x2];
	s3 =	sor.u32 $0x380, s7;
	[tilespmem:s6+$0x12400] =	vst v1  }
0x155: {  	s0 =	sadd.s32 s5, s4;
	s7 =	simm.s32 $0x12400;
	s6 =	simm.s32 $0x0;
	[tilespmem:s3+$0x12400] =	vst v5  }
0x156: {  	[hbm4b:s0+s6] =	stream.linear.scatter [tilespmem:s7], [sflag:$0x6], $0x2000, $0x38;
	[tilespmem:$0x18400] =	vst v63  }
0x157: {  	s0 =	rddreg [dreg:$0xc]  }
0x158: {  	s0 =	sadd.s32 @!p1 s10, s0  }
0x159: {  	s8 =	simm.s32 $0x3;
	s1 =	rddreg [dreg:$0x0];
	s0 =	sshll.u32 @!p1 s0, $0xB  }
0x15a: {  	s2 =	simm.s32 @!p1 $0x4400;
	s0 =	sadd.s32 @!p1 s1, s0;
	s1 =	simm.s32 @!p1 $0x0  }
0x15b: {  	[tilespmem:s2], [sflag:$0x2] =	stream.linear.gather @!p1 [hbm4b:s0+s1], $0x4000, $0x38;
	[tilespmem:$0x18400] =	vst v63  }
0x15c: {  	_ =	swait.ge [sflag:s8], $0x4000  }
0x15d: {  	[sflag:s8] =	ssyncset.done $0x0  }
0x15e: {  	s1 =	simm.s32 @!p0 $0x7;
	s0 =	simm.s32 $0x0;
	[sflag:s8] =	ssyncadd.s32 $0xFFFFC000  }
0x15f: {  	s11 =	sand.u32 $0x40, s0;
	_ =	swait.ge @!p0 [sflag:s1], $0x2000  }
0x160: {  	s12 =	sand.u32 $0x380, s0;
	s13 =	sor.u32 $0x30, s11;
	[sflag:s1] =	ssyncset.done @!p0 $0x0  }
0x161: {  	s14 =	sor.u32 s13, s12;
	[sflag:s1] =	ssyncadd.s32 @!p0 $0xFFFFE000  }
0x162: {  	s2 =	simm.s32 $0x0;
	v0 =	vld [tilespmem:s14+$0x0]  }
0x163: {  	s15 =	sor.u32 $0x10, s11;
	v1 =	vld [tilespmem:s2+$0x0]  }
0x164: {  	s22 =	sor.u32 $0x20, s11;
	s21 =	sor.u32 s15, s12  }
0x165: {  	s4 =	sor.u32 s22, s12;
	v2 =	vld [tilespmem:s21+$0x0]  }
0x166: {  	v3 =	vld [tilespmem:s4+$0x0]  }
0x167: {  	v4 =	vshll.u32 v0, $0x3  }
0x168: {  	v5 =	vshll.u32 v1, $0x3;
	v0 =	vand.u32 $0x7F, v0;
	v4 =	vand.u32 $0xFFFFFC00, v4  }
0x169: {  	v1 =	vand.u32 $0x7F, v1;
	v6 =	vand.u32 $0xFFFFFC00, v5;
	v5 =	vor.u32 v0, v4  }
0x16a: {  	v0 =	vor.u32 v1, v6;
	v1 =	vshll.u32 v2, $0x3  }
0x16b: {  	v4 =	vshll.u32 v3, $0x3;
	v2 =	vand.u32 $0x7F, v2;
	v1 =	vand.u32 $0xFFFFFC00, v1  }
0x16c: {  	v6 =	vand.u32 $0xFFFFFC00, v4;
	v4 =	vor.u32 v2, v1;
	v1 =	vand.u32 $0x7F, v3  }
0x16d: {  	v3 =	vor.u32 v1, v6  }
0x16e: {  	v1 =	vld.idx.msk [tilespmem:v5+s19+$0x0], $0xffff  }
0x16f: {  	v6 =	vor.u32 $0x80, v5;
	v2 =	vld.idx.msk [tilespmem:v0+s19+$0x0], $0xffff  }
0x170: {  	s23 =	sand.u32 $0x1C00, s2;
	v7 =	vor.u32 $0x80, v0  }
0x171: {  	s4 =	sadd.s32 $0x14400, s23;
	v8 =	vld.idx.msk [tilespmem:v4+s19+$0x0], $0xffff  }
0x172: {  	s24 =	sor.u32 s13, s4;
	v9 =	vor.u32 $0x80, v4;
	v10 =	vld.idx.msk [tilespmem:v3+s19+$0x0], $0xffff  }
0x173: {  	s3 =	sor.u32 s11, s4;
	v11 =	vor.u32 $0x80, v3;
	[tilespmem:s24+$0x0] =	vst v1  }
0x174: {  	[tilespmem:s3+$0x0] =	vst v2;
	v1 =	vld.idx.msk [tilespmem:v6+s19+$0x0], $0xffff  }
0x175: {  	s12 =	sor.u32 s15, s4;
	v2 =	vld.idx.msk [tilespmem:v7+s19+$0x0], $0xffff;
	v6 =	vor.u32 $0x100, v5  }
0x176: {  	s25 =	sor.u32 s22, s4;
	v7 =	vor.u32 $0x100, v0;
	[tilespmem:s12+$0x0] =	vst v8  }
0x177: {  	v8 =	vld.idx.msk [tilespmem:v9+s19+$0x0], $0xffff;
	[tilespmem:s25+$0x0] =	vst v10  }
0x178: {  	v9 =	vor.u32 $0x100, v4;
	v10 =	vld.idx.msk [tilespmem:v11+s19+$0x0], $0xffff  }
0x179: {  	v11 =	vor.u32 $0x100, v3;
	[tilespmem:s24+$0x80] =	vst v1  }
0x17a: {  	[tilespmem:s3+$0x80] =	vst v2;
	v1 =	vld.idx.msk [tilespmem:v6+s19+$0x0], $0xffff  }
0x17b: {  	v2 =	vld.idx.msk [tilespmem:v7+s19+$0x0], $0xffff;
	v6 =	vor.u32 $0x180, v5  }
0x17c: {  	v7 =	vor.u32 $0x180, v0;
	[tilespmem:s12+$0x80] =	vst v8  }
0x17d: {  	v8 =	vld.idx.msk [tilespmem:v9+s19+$0x0], $0xffff;
	[tilespmem:s25+$0x80] =	vst v10  }
0x17e: {  	s26 =	simm.s32 $0x40;
	s7 =	simm.s32 $0x40;
	v9 =	vor.u32 $0x180, v4;
	v10 =	vld.idx.msk [tilespmem:v11+s19+$0x0], $0xffff  }
0x17f: {  	s5 =	sand.u32 $0x40, s7;
	v11 =	vld [tilespmem:s26+$0x0];
	[tilespmem:s24+$0x100] =	vst v1  }
0x180: {  	s29 =	sand.u32 $0x380, s7;
	s8 =	sor.u32 $0x30, s5;
	[tilespmem:s3+$0x100] =	vst v2;
	v1 =	vld.idx.msk [tilespmem:v6+s19+$0x0], $0xffff  }
0x181: {  	s13 =	sor.u32 s8, s29;
	v2 =	vor.u32 $0x180, v3;
	v6 =	vld.idx.msk [tilespmem:v7+s19+$0x0], $0xffff  }
0x182: {  	s22 =	sor.u32 $0x10, s5;
	v7 =	vor.u32 $0x200, v5;
	[tilespmem:s12+$0x100] =	vst v8;
	v8 =	vld [tilespmem:s13+$0x0]  }
0x183: {  	s23 =	sor.u32 $0x20, s5;
	s14 =	sor.u32 s22, s29;
	v9 =	vld.idx.msk [tilespmem:v9+s19+$0x0], $0xffff  }
0x184: {  	s4 =	sor.u32 s23, s29;
	v13 =	vld [tilespmem:s14+$0x0];
	v12 =	vor.u32 $0x200, v4;
	v14 =	vshll.u32 v11, $0x3  }
0x185: {  	v15 =	vld [tilespmem:s4+$0x0];
	[tilespmem:s25+$0x100] =	vst v10;
	v10 =	vor.u32 $0x200, v0;
	v11 =	vand.u32 $0x7F, v11;
	v14 =	vand.u32 $0xFFFFFC00, v14  }
0x186: {  	p2 =	por $0x0, $0x0;
	s4 =	simm.s32 $0x1;
	v16 =	vld.idx.msk [tilespmem:v2+s19+$0x0], $0xffff;
	[tilespmem:s24+$0x180] =	vst v1;
	v1 =	vor.u32 v11, v14  }
0x187: {  	s4 =	simm.s32 @!p2 $0x0;
	v11 =	vor.u32 $0x200, v3;
	v7 =	vld.idx.msk [tilespmem:v7+s19+$0x0], $0xffff;
	v2 =	vshll.u32 v8, $0x3  }
0x188: {  	s4 =	sshll.u32 s4, $0x6;
	v8 =	vand.u32 $0x7F, v8;
	[tilespmem:s12+$0x180] =	vst v9;
	v2 =	vand.u32 $0xFFFFFC00, v2;
	v9 =	vor.u32 $0x280, v5  }
0x189: {  	s6 =	sadd.s32 $0x0, s4;
	v14 =	vor.u32 $0x280, v4;
	[tilespmem:s3+$0x180] =	vst v6;
	v6 =	vld.idx.msk [tilespmem:v12+s19+$0x0], $0xffff;
	v12 =	vshll.u32 v13, $0x3;
	v2 =	vor.u32 v8, v2  }
0x18a: {  	s3 =	sadd.s32 $0x30, s6;
	v8 =	vld.idx.msk [tilespmem:v10+s19+$0x0], $0xffff;
	v10 =	vshll.u32 v15, $0x3;
	v13 =	vand.u32 $0x7F, v13;
	v12 =	vand.u32 $0xFFFFFC00, v12  }
0x18b: {  	s24 =	sor.u32 $0x200, s3;
	v10 =	vand.u32 $0xFFFFFC00, v10;
	[tilespmem:s25+$0x180] =	vst v16;
	v17 =	vld.idx.msk [tilespmem:v1+s19+$0x0], $0xffff;
	v21 =	vor.u32 v13, v12;
	v12 =	vand.u32 $0x7F, v15  }
0x18c: {  	s12 =	sadd.s32 $0x10, s6;
	v11 =	vld.idx.msk [tilespmem:v11+s19+$0x0], $0xffff;
	v10 =	vor.u32 v12, v10;
	[tilespmem:s24+$0x14400] =	vst v7  }
0x18d: {  	s25 =	sor.u32 $0x200, s12;
	v7 =	vor.u32 $0x280, v0;
	v9 =	vld.idx.msk [tilespmem:v9+s19+$0x0], $0xffff  }
0x18e: {  	s31 =	simm.s32 $0x200;
	s26 =	sor.u32 $0x200, s6;
	v12 =	vor.u32 $0x280, v3;
	v13 =	vld.idx.msk [tilespmem:v2+s19+$0x0], $0xffff;
	[tilespmem:s25+$0x14400] =	vst v6  }
0x18f: {  	s15 =	sand.u32 $0x1C00, s31;
	s14 =	sadd.s32 $0x20, s6;
	[tilespmem:s26+$0x14400] =	vst v8;
	v8 =	vor.u32 $0x80, v1;
	v6 =	vld.idx.msk [tilespmem:v14+s19+$0x0], $0xffff  }
0x190: {  	s1 =	sadd.s32 $0x14400, s15;
	s29 =	sor.u32 $0x200, s14;
	v14 =	vor.u32 $0x300, v5;
	v15 =	vld.idx.msk [tilespmem:v21+s19+$0x0], $0xffff  }
0x191: {  	s5 =	sor.u32 s5, s1;
	v16 =	vor.u32 $0x80, v2;
	[tilespmem:s29+$0x14400] =	vst v11;
	v18 =	vld.idx.msk [tilespmem:v10+s19+$0x0], $0xffff  }
0x192: {  	s21 =	sor.u32 $0x280, s3;
	v19 =	vor.u32 $0x80, v21;
	[tilespmem:s5+$0x0] =	vst v17;
	v7 =	vld.idx.msk [tilespmem:v7+s19+$0x0], $0xffff  }
0x193: {  	s11 =	sor.u32 s8, s1;
	v11 =	vor.u32 $0x80, v10;
	v12 =	vld.idx.msk [tilespmem:v12+s19+$0x0], $0xffff;
	[tilespmem:s21+$0x14400] =	vst v9  }
0x194: {  	s30 =	sor.u32 s22, s1;
	s22 =	sor.u32 $0x280, s12;
	v9 =	vor.u32 $0x300, v4;
	[tilespmem:s11+$0x0] =	vst v13;
	v8 =	vld.idx.msk [tilespmem:v8+s19+$0x0], $0xffff  }
0x195: {  	v13 =	vld.idx.msk [tilespmem:v14+s19+$0x0], $0xffff;
	v14 =	vor.u32 $0x300, v3;
	[tilespmem:s22+$0x14400] =	vst v6  }
0x196: {  	s8 =	sor.u32 s23, s1;
	v5 =	vor.u32 $0x380, v5;
	v16 =	vld.idx.msk [tilespmem:v16+s19+$0x0], $0xffff;
	[tilespmem:s30+$0x0] =	vst v15  }
0x197: {  	s23 =	sor.u32 $0x280, s14;
	v17 =	vor.u32 $0x100, v2;
	v15 =	vld.idx.msk [tilespmem:v19+s19+$0x0], $0xffff;
	[tilespmem:s8+$0x0] =	vst v18  }
0x198: {  	v19 =	vor.u32 $0x100, v1;
	[tilespmem:s23+$0x14400] =	vst v12;
	v20 =	vld.idx.msk [tilespmem:v11+s19+$0x0], $0xffff  }
0x199: {  	s24 =	sor.u32 $0x300, s3;
	v6 =	vor.u32 $0x100, v21;
	v22 =	vld.idx.msk [tilespmem:v9+s19+$0x0], $0xffff;
	[tilespmem:s5+$0x80] =	vst v8  }
0x19a: {  	v23 =	vor.u32 $0x100, v10;
	v14 =	vld.idx.msk [tilespmem:v14+s19+$0x0], $0xffff;
	[tilespmem:s24+$0x14400] =	vst v13  }
0x19b: {  	[tilespmem:s11+$0x80] =	vst v16;
	v16 =	vor.u32 $0x300, v0;
	v24 =	vld.idx.msk [tilespmem:v5+s19+$0x0], $0xffff  }
0x19c: {  	v25 =	vor.u32 $0x380, v4;
	v18 =	vld.idx.msk [tilespmem:v17+s19+$0x0], $0xffff;
	[tilespmem:s30+$0x80] =	vst v15  }
0x19d: {  	s0 =	sor.u32 s2, s0;
	s26 =	sor.u32 $0x300, s12;
	v4 =	vor.u32 $0x380, v21;
	v17 =	vld.idx.msk [tilespmem:v19+s19+$0x0], $0xffff;
	[tilespmem:s8+$0x80] =	vst v20  }
0x19e: {  	s0 =	sor.u32 $0x380, s0;
	s25 =	sor.u32 $0x280, s6;
	v11 =	vor.u32 $0x200, v21;
	v8 =	vor.u32 $0x280, v21;
	v19 =	vld.idx.msk [tilespmem:v6+s19+$0x0], $0xffff;
	[tilespmem:s26+$0x14400] =	vst v22;
	v22 =	vor.u32 $0x180, v2  }
0x19f: {  	s15 =	sor.u32 $0x300, s14;
	s2 =	sor.u32 $0x380, s14;
	s28 =	sor.u32 $0x380, s12;
	[tilespmem:s25+$0x14400] =	vst v7;
	v13 =	vor.u32 $0x180, v21;
	v6 =	vor.u32 $0x300, v21;
	v21 =	vor.u32 $0x180, v1;
	v20 =	vld.idx.msk [tilespmem:v23+s19+$0x0], $0xffff  }
0x1a0: {  	s3 =	sor.u32 $0x380, s3;
	s29 =	sor.u32 s31, s7;
	s21 =	sadd.s32 $0x10, s16;
	v3 =	vor.u32 $0x380, v3;
	v12 =	vor.u32 $0x180, v10;
	v7 =	vor.u32 $0x280, v10;
	v15 =	vld.idx.msk [tilespmem:v16+s19+$0x0], $0xffff  }
0x1a1: {  	s25 =	sor.u32 $0x300, s6;
	s6 =	sor.u32 $0x380, s29;
	s23 =	simm.s32 $0x80;
	v9 =	vor.u32 $0x200, v10;
	v5 =	vor.u32 $0x300, v10;
	v10 =	vor.u32 $0x380, v10;
	v16 =	vld.idx.msk [tilespmem:v25+s19+$0x0], $0xffff;
	[tilespmem:s3+$0x14400] =	vst v24  }
.LBB2_7:
0x1a2: {  	s7 =	sadd.s32 $0x40, s7;
	v23 =	vld [tilespmem:s23+$0x0];
	[tilespmem:s11+$0x100] =	vst v18  }
0x1a3: {  	s12 =	sand.u32 $0x40, s7;
	p3 =	slt.u32 s7, $0x3C0;
	[tilespmem:s5+$0x100] =	vst v17;
	v17 =	vld.idx.msk [tilespmem:v22+s19+$0x0], $0xffff  }
0x1a4: {  	s1 =	sand.u32 $0x380, s7;
	s13 =	sor.u32 $0x10, s12;
	s14 =	sor.u32 $0x30, s12;
	v18 =	vld.idx.msk [tilespmem:v21+s19+$0x0], $0xffff;
	[tilespmem:s30+$0x100] =	vst v19  }
0x1a5: {  	s22 =	sor.u32 $0x20, s12;
	v19 =	vor.u32 $0x200, v2;
	s3 =	sor.u32 s13, s1;
	s4 =	sor.u32 s14, s1;
	v13 =	vld.idx.msk [tilespmem:v13+s19+$0x0], $0xffff;
	[tilespmem:s8+$0x100] =	vst v20  }
0x1a6: {  	v21 =	vor.u32 $0x200, v1;
	s1 =	sor.u32 s22, s1;
	v20 =	vld [tilespmem:s4+$0x0];
	[tilespmem:s15+$0x14400] =	vst v14  }
0x1a7: {  	v14 =	vld [tilespmem:s3+$0x0];
	[tilespmem:s25+$0x14400] =	vst v15  }
0x1a8: {  	v15 =	vshll.u32 v23, $0x3;
	v22 =	vld [tilespmem:s1+$0x0];
	[tilespmem:s28+$0x14400] =	vst v16  }
0x1a9: {  	v16 =	vand.u32 $0x7F, v23;
	v15 =	vand.u32 $0xFFFFFC00, v15;
	v12 =	vld.idx.msk [tilespmem:v12+s19+$0x0], $0xffff;
	[tilespmem:s11+$0x180] =	vst v17;
	v17 =	vor.u32 $0x380, v0;
	v0 =	vmovc v1  }
0x1aa: {  	p2 =	por !p2, !p2;
	s1 =	simm.s32 $0x1;
	v1 =	vor.u32 v16, v15;
	[tilespmem:s5+$0x180] =	vst v18;
	v15 =	vld.idx.msk [tilespmem:v19+s19+$0x0], $0xffff  }
0x1ab: {  	s1 =	simm.s32 @!p2 $0x0;
	v16 =	vshll.u32 v20, $0x3;
	v18 =	vld.idx.msk [tilespmem:v21+s19+$0x0], $0xffff;
	[tilespmem:s30+$0x180] =	vst v13  }
0x1ac: {  	s1 =	sshll.u32 s1, $0x6;
	v13 =	vand.u32 $0x7F, v20;
	v16 =	vand.u32 $0xFFFFFC00, v16;
	v19 =	vld.idx.msk [tilespmem:v11+s19+$0x0], $0xffff;
	v11 =	vor.u32 $0x280, v2  }
0x1ad: {  	s4 =	sadd.s32 s1, s31;
	v20 =	vshll.u32 v14, $0x3;
	v21 =	vshll.u32 v22, $0x3;
	v16 =	vor.u32 v13, v16;
	v23 =	vld.idx.msk [tilespmem:v3+s19+$0x0], $0xffff;
	v3 =	vmovc v10  }
0x1ae: {  	s5 =	sadd.s32 $0x10, s4;
	s11 =	sadd.s32 $0x20, s4;
	s3 =	sadd.s32 $0x30, s4;
	v10 =	vand.u32 $0x7F, v14;
	v13 =	vand.u32 $0xFFFFFC00, v20;
	v14 =	vand.u32 $0xFFFFFC00, v21;
	v17 =	vld.idx.msk [tilespmem:v17+s19+$0x0], $0xffff  }
0x1af: {  	s28 =	sor.u32 $0x200, s5;
	s15 =	sor.u32 $0x200, s3;
	v10 =	vor.u32 v10, v13;
	v13 =	vand.u32 $0x7F, v22;
	v21 =	vor.u32 $0x280, v0;
	v20 =	vld.idx.msk [tilespmem:v1+s19+$0x0], $0xffff;
	[tilespmem:s8+$0x180] =	vst v12;
	s8 =	sor.u32 $0x200, s11  }
0x1b0: {  	s24 =	sor.u32 $0x200, s4;
	s1 =	sor.u32 $0x280, s5;
	s29 =	sor.u32 $0x280, s11;
	v22 =	vor.u32 $0x80, v10;
	v24 =	vor.u32 $0x100, v10;
	v14 =	vor.u32 v13, v14;
	v25 =	vld.idx.msk [tilespmem:v9+s19+$0x0], $0xffff;
	[tilespmem:s15+$0x14400] =	vst v15  }
0x1b1: {  	s26 =	sor.u32 $0x280, s4;
	v13 =	vor.u32 $0x180, v10;
	v15 =	vor.u32 $0x80, v14;
	v26 =	vor.u32 $0x100, v14;
	s15 =	sor.u32 $0x300, s11;
	[tilespmem:s24+$0x14400] =	vst v18;
	s24 =	sor.u32 $0x300, s5;
	v18 =	vld.idx.msk [tilespmem:v11+s19+$0x0], $0xffff  }
0x1b2: {  	s25 =	sor.u32 $0x300, s4;
	s4 =	sor.u32 $0x380, s11;
	v12 =	vor.u32 $0x180, v14;
	v9 =	vor.u32 $0x200, v14;
	v11 =	vor.u32 $0x200, v10;
	v27 =	vld.idx.msk [tilespmem:v16+s19+$0x0], $0xffff;
	[tilespmem:s28+$0x14400] =	vst v19;
	s28 =	sor.u32 $0x380, s5  }
0x1b3: {  	v29 =	vor.u32 $0x300, v2;
	v19 =	vor.u32 $0x280, v14;
	v28 =	vld.idx.msk [tilespmem:v8+s19+$0x0], $0xffff;
	v8 =	vor.u32 $0x280, v10;
	[tilespmem:s2+$0x14400] =	vst v23;
	s2 =	smov.u32 s4  }
0x1b4: {  	s31 =	sadd.s32 $0x200, s31;
	v32 =	vor.u32 $0x80, v16;
	v30 =	vor.u32 $0x300, v10;
	v31 =	vor.u32 $0x300, v14;
	v23 =	vld.idx.msk [tilespmem:v10+s19+$0x0], $0xffff;
	[tilespmem:s0+$0x14400] =	vst v17;
	s0 =	smov.u32 s6  }
0x1b5: {  	v33 =	vor.u32 $0x380, v10;
	s5 =	sor.u32 s31, s7;
	s4 =	sand.u32 $0x1C00, s31;
	v17 =	vor.u32 $0x80, v1;
	v10 =	vor.u32 $0x380, v14;
	v34 =	vld.idx.msk [tilespmem:v14+s19+$0x0], $0xffff  }
0x1b6: {  	s4 =	sadd.s32 $0x14400, s4;
	s6 =	sor.u32 $0x380, s5;
	s5 =	sor.u32 $0x280, s3;
	v35 =	vld.idx.msk [tilespmem:v21+s19+$0x0], $0xffff;
	[tilespmem:s8+$0x14400] =	vst v25  }
0x1b7: {  	s30 =	sor.u32 s13, s4;
	s11 =	sor.u32 s14, s4;
	s8 =	sor.u32 s22, s4;
	v14 =	vld.idx.msk [tilespmem:v7+s19+$0x0], $0xffff;
	[tilespmem:s5+$0x14400] =	vst v18;
	v7 =	vmov v19  }
0x1b8: {  	s5 =	sor.u32 s12, s4;
	[tilespmem:s11+$0x0] =	vst v27;
	v18 =	vld.idx.msk [tilespmem:v29+s19+$0x0], $0xffff  }
0x1b9: {  	[tilespmem:s5+$0x0] =	vst v20;
	v19 =	vld.idx.msk [tilespmem:v32+s19+$0x0], $0xffff  }
0x1ba: {  	v20 =	vor.u32 $0x380, v2;
	v2 =	vmov v16;
	v17 =	vld.idx.msk [tilespmem:v17+s19+$0x0], $0xffff;
	[tilespmem:s30+$0x0] =	vst v23  }
0x1bb: {  	v21 =	vor.u32 $0x100, v2;
	v16 =	vld.idx.msk [tilespmem:v22+s19+$0x0], $0xffff;
	[tilespmem:s8+$0x0] =	vst v34  }
0x1bc: {  	v22 =	vor.u32 $0x100, v1;
	v15 =	vld.idx.msk [tilespmem:v15+s19+$0x0], $0xffff;
	[tilespmem:s1+$0x14400] =	vst v28  }
0x1bd: {  	s1 =	sor.u32 $0x300, s3;
	v23 =	vld.idx.msk [tilespmem:v6+s19+$0x0], $0xffff;
	[tilespmem:s29+$0x14400] =	vst v14;
	v6 =	vmov v30  }
0x1be: {  	v14 =	vld.idx.msk [tilespmem:v5+s19+$0x0], $0xffff;
	[tilespmem:s1+$0x14400] =	vst v18;
	v5 =	vmov v31  }
0x1bf: {  	v25 =	vor.u32 $0x300, v0;
	[tilespmem:s11+$0x80] =	vst v19;
	v27 =	vld.idx.msk [tilespmem:v20+s19+$0x0], $0xffff  }
0x1c0: {  	[tilespmem:s5+$0x80] =	vst v17;
	v18 =	vld.idx.msk [tilespmem:v21+s19+$0x0], $0xffff  }
.Ltmp4:
0x1c1: {  	v17 =	vld.idx.msk [tilespmem:v22+s19+$0x0], $0xffff;
	[tilespmem:s30+$0x80] =	vst v16;
	(pc) =	sbr.rel @p3 .LBB2_7-.Ltmp4, $4  }
0x1c2: {  	v22 =	vor.u32 $0x180, v2;
	v19 =	vld.idx.msk [tilespmem:v24+s19+$0x0], $0xffff;
	[tilespmem:s8+$0x80] =	vst v15  }
0x1c3: {  	v21 =	vor.u32 $0x180, v1;
	v20 =	vld.idx.msk [tilespmem:v26+s19+$0x0], $0xffff;
	[tilespmem:s26+$0x14400] =	vst v35  }
0x1c4: {  	s1 =	sor.u32 $0x380, s3;
	v15 =	vld.idx.msk [tilespmem:v25+s19+$0x0], $0xffff;
	[tilespmem:s24+$0x14400] =	vst v23  }
0x1c5: {  	s23 =	sadd.s32 $0x40, s23;
	v16 =	vld.idx.msk [tilespmem:v4+s19+$0x0], $0xffff;
	[tilespmem:s1+$0x14400] =	vst v27;
	v4 =	vmov v33  }
0x1c6: {  	_ =	sdelay $0x2  }
0x1c7: {  	[tilespmem:s11+$0x100] =	vst v18  }
0x1c8: {  	v18 =	vld.idx.msk [tilespmem:v22+s19+$0x0], $0xffff;
	[tilespmem:s30+$0x100] =	vst v19  }
0x1c9: {  	[tilespmem:s5+$0x100] =	vst v17;
	v19 =	vor.u32 $0x200, v2;
	v13 =	vld.idx.msk [tilespmem:v13+s19+$0x0], $0xffff  }
0x1ca: {  	v17 =	vld.idx.msk [tilespmem:v21+s19+$0x0], $0xffff;
	[tilespmem:s8+$0x100] =	vst v20  }
0x1cb: {  	v20 =	vor.u32 $0x200, v1;
	v12 =	vld.idx.msk [tilespmem:v12+s19+$0x0], $0xffff;
	_ =	sdelay $0x1  }
0x1cc: {  	p2 =	por !p2, !p2;
	s1 =	simm.s32 $0x1;
	[tilespmem:s11+$0x180] =	vst v18  }
0x1cd: {  	s1 =	simm.s32 @!p2 $0x0;
	v18 =	vld.idx.msk [tilespmem:v19+s19+$0x0], $0xffff;
	[tilespmem:s30+$0x180] =	vst v13  }
0x1ce: {  	s1 =	sshll.u32 s1, $0x6;
	[tilespmem:s5+$0x180] =	vst v17;
	v13 =	vor.u32 $0x280, v2;
	v11 =	vld.idx.msk [tilespmem:v11+s19+$0x0], $0xffff  }
0x1cf: {  	s1 =	sadd.s32 s1, s31;
	[tilespmem:s8+$0x180] =	vst v12;
	v12 =	vld.idx.msk [tilespmem:v20+s19+$0x0], $0xffff  }
0x1d0: {  	s3 =	sadd.s32 $0x30, s1;
	v17 =	vor.u32 $0x280, v1;
	v9 =	vld.idx.msk [tilespmem:v9+s19+$0x0], $0xffff  }
0x1d1: {  	s4 =	sadd.s32 $0x10, s1;
	s11 =	sor.u32 $0x200, s3  }
0x1d2: {  	s12 =	sor.u32 $0x200, s4;
	[tilespmem:s11+$0x14400] =	vst v18  }
0x1d3: {  	s7 =	sadd.s32 $0x20, s1;
	s14 =	sor.u32 $0x200, s1;
	v13 =	vld.idx.msk [tilespmem:v13+s19+$0x0], $0xffff;
	[tilespmem:s12+$0x14400] =	vst v11  }
0x1d4: {  	s13 =	sor.u32 $0x200, s7;
	v11 =	vor.u32 $0x300, v2;
	[tilespmem:s14+$0x14400] =	vst v12;
	v8 =	vld.idx.msk [tilespmem:v8+s19+$0x0], $0xffff  }
0x1d5: {  	[tilespmem:s13+$0x14400] =	vst v9;
	v9 =	vld.idx.msk [tilespmem:v17+s19+$0x0], $0xffff  }
0x1d6: {  	v12 =	vor.u32 $0x300, v1;
	v7 =	vld.idx.msk [tilespmem:v7+s19+$0x0], $0xffff  }
0x1d7: {  	[tilespmem:s15+$0x14400] =	vst v14;
	s15 =	sor.u32 $0x280, s3  }
0x1d8: {  	s22 =	sor.u32 $0x280, s4;
	[tilespmem:s15+$0x14400] =	vst v13  }
0x1d9: {  	v0 =	vor.u32 $0x380, v0;
	s24 =	sor.u32 $0x280, s1;
	v11 =	vld.idx.msk [tilespmem:v11+s19+$0x0], $0xffff;
	[tilespmem:s22+$0x14400] =	vst v8  }
0x1da: {  	s23 =	sor.u32 $0x280, s7;
	v2 =	vor.u32 $0x380, v2;
	[tilespmem:s24+$0x14400] =	vst v9;
	v6 =	vld.idx.msk [tilespmem:v6+s19+$0x0], $0xffff  }
0x1db: {  	[tilespmem:s23+$0x14400] =	vst v7;
	v7 =	vld.idx.msk [tilespmem:v12+s19+$0x0], $0xffff  }
0x1dc: {  	[tilespmem:s25+$0x14400] =	vst v15;
	v1 =	vor.u32 $0x380, v1;
	v5 =	vld.idx.msk [tilespmem:v5+s19+$0x0], $0xffff  }
0x1dd: {  	v3 =	vld.idx.msk [tilespmem:v3+s19+$0x0], $0xffff;
	[tilespmem:s28+$0x14400] =	vst v16;
	s26 =	sor.u32 $0x300, s3  }
0x1de: {  	v0 =	vld.idx.msk [tilespmem:v0+s19+$0x0], $0xffff;
	s29 =	sor.u32 $0x300, s4;
	[tilespmem:s26+$0x14400] =	vst v11  }
0x1df: {  	s1 =	sor.u32 $0x300, s1;
	v2 =	vld.idx.msk [tilespmem:v2+s19+$0x0], $0xffff;
	[tilespmem:s29+$0x14400] =	vst v6  }
0x1e0: {  	s31 =	sor.u32 $0x300, s7;
	[tilespmem:s1+$0x14400] =	vst v7;
	v4 =	vld.idx.msk [tilespmem:v4+s19+$0x0], $0xffff  }
0x1e1: {  	[tilespmem:s31+$0x14400] =	vst v5;
	v1 =	vld.idx.msk [tilespmem:v1+s19+$0x0], $0xffff  }
0x1e2: {  	[tilespmem:s2+$0x14400] =	vst v3;
	v5 =	vld.idx.msk [tilespmem:v10+s19+$0x0], $0xffff  }
0x1e3: {  	s2 =	sor.u32 $0x380, s3;
	[tilespmem:s0+$0x14400] =	vst v0  }
0x1e4: {  	s3 =	sor.u32 $0x380, s4;
	[tilespmem:s2+$0x14400] =	vst v2  }
0x1e5: {  	[tilespmem:s3+$0x14400] =	vst v4  }
0x1e6: {  	s4 =	sor.u32 $0x380, s7;
	s5 =	sshll.u32 s21, $0x7;
	[tilespmem:s6+$0x14400] =	vst v1;
	s6 =	rddreg [dreg:$0x2]  }
0x1e7: {  	s7 =	simm.s32 $0x0;
	s8 =	simm.s32 $0x14400;
	[tilespmem:s4+$0x14400] =	vst v5;
	s0 =	sadd.s32 s6, s5  }
0x1e8: {  	[hbm4b:s0+s7] =	stream.linear.scatter [tilespmem:s8], [sflag:$0x7], $0x2000, $0x38;
	[tilespmem:$0x18400] =	vst v63  }
0x1e9: {  	s0 =	rddreg [dreg:$0xd]  }
0x1ea: {  	s0 =	sadd.s32 @!p1 s10, s0  }
0x1eb: {  	s0 =	sshll.u32 @!p1 s0, $0xB  }
0x1ec: {  	s11 =	simm.s32 $0x4;
	s1 =	rddreg [dreg:$0x0];
	s0 =	sand.u32 @!p1 $0x1FFFF000, s0  }
0x1ed: {  	s2 =	simm.s32 @!p1 $0x8400;
	s0 =	sadd.s32 @!p1 s1, s0;
	s1 =	simm.s32 @!p1 $0x0  }
0x1ee: {  	[tilespmem:s2], [sflag:$0x3] =	stream.linear.gather @!p1 [hbm4b:s0+s1], $0x4000, $0x38;
	[tilespmem:$0x18400] =	vst v63  }
0x1ef: {  	_ =	swait.ge [sflag:s11], $0x4000  }
0x1f0: {  	[sflag:s11] =	ssyncset.done $0x0  }
0x1f1: {  	s1 =	simm.s32 @!p0 $0x8;
	s0 =	simm.s32 $0x0;
	[sflag:s11] =	ssyncadd.s32 $0xFFFFC000  }
0x1f2: {  	s12 =	sand.u32 $0x40, s0;
	_ =	swait.ge @!p0 [sflag:s1], $0x2000  }
0x1f3: {  	s13 =	sand.u32 $0x380, s0;
	s14 =	sor.u32 $0x30, s12;
	[sflag:s1] =	ssyncset.done @!p0 $0x0  }
0x1f4: {  	s15 =	sor.u32 s14, s13;
	[sflag:s1] =	ssyncadd.s32 @!p0 $0xFFFFE000  }
0x1f5: {  	s2 =	simm.s32 $0x0;
	v0 =	vld [tilespmem:s15+$0x0]  }
0x1f6: {  	s21 =	sor.u32 $0x10, s12;
	v1 =	vld [tilespmem:s2+$0x0]  }
0x1f7: {  	s23 =	sor.u32 $0x20, s12;
	s22 =	sor.u32 s21, s13  }
0x1f8: {  	s4 =	sor.u32 s23, s13;
	v2 =	vld [tilespmem:s22+$0x0]  }
0x1f9: {  	v3 =	vld [tilespmem:s4+$0x0]  }
0x1fa: {  	v4 =	vshll.u32 v0, $0x3  }
0x1fb: {  	v5 =	vshll.u32 v1, $0x3;
	v0 =	vand.u32 $0x7F, v0;
	v4 =	vand.u32 $0xFFFFFC00, v4  }
0x1fc: {  	v1 =	vand.u32 $0x7F, v1;
	v6 =	vand.u32 $0xFFFFFC00, v5;
	v5 =	vor.u32 v0, v4  }
0x1fd: {  	v0 =	vor.u32 v1, v6;
	v1 =	vshll.u32 v2, $0x3  }
0x1fe: {  	v4 =	vshll.u32 v3, $0x3;
	v2 =	vand.u32 $0x7F, v2;
	v1 =	vand.u32 $0xFFFFFC00, v1  }
0x1ff: {  	v6 =	vand.u32 $0xFFFFFC00, v4;
	v4 =	vor.u32 v2, v1;
	v1 =	vand.u32 $0x7F, v3  }
0x200: {  	v3 =	vor.u32 v1, v6  }
0x201: {  	v1 =	vld.idx.msk [tilespmem:v5+s20+$0x0], $0xffff  }
0x202: {  	v6 =	vor.u32 $0x80, v5;
	v2 =	vld.idx.msk [tilespmem:v0+s20+$0x0], $0xffff  }
0x203: {  	s24 =	sand.u32 $0x1C00, s2;
	v7 =	vor.u32 $0x80, v0  }
0x204: {  	s4 =	sadd.s32 $0x16400, s24;
	v8 =	vld.idx.msk [tilespmem:v4+s20+$0x0], $0xffff  }
0x205: {  	s25 =	sor.u32 s14, s4;
	v9 =	vor.u32 $0x80, v4;
	v10 =	vld.idx.msk [tilespmem:v3+s20+$0x0], $0xffff  }
0x206: {  	s3 =	sor.u32 s12, s4;
	v11 =	vor.u32 $0x80, v3;
	[tilespmem:s25+$0x0] =	vst v1  }
0x207: {  	[tilespmem:s3+$0x0] =	vst v2;
	v1 =	vld.idx.msk [tilespmem:v6+s20+$0x0], $0xffff  }
0x208: {  	s12 =	sor.u32 s21, s4;
	v2 =	vld.idx.msk [tilespmem:v7+s20+$0x0], $0xffff;
	v6 =	vor.u32 $0x100, v5  }
0x209: {  	s26 =	sor.u32 s23, s4;
	v7 =	vor.u32 $0x100, v0;
	[tilespmem:s12+$0x0] =	vst v8  }
0x20a: {  	v8 =	vld.idx.msk [tilespmem:v9+s20+$0x0], $0xffff;
	[tilespmem:s26+$0x0] =	vst v10  }
0x20b: {  	v9 =	vor.u32 $0x100, v4;
	v10 =	vld.idx.msk [tilespmem:v11+s20+$0x0], $0xffff  }
0x20c: {  	v11 =	vor.u32 $0x100, v3;
	[tilespmem:s25+$0x80] =	vst v1  }
0x20d: {  	[tilespmem:s3+$0x80] =	vst v2;
	v1 =	vld.idx.msk [tilespmem:v6+s20+$0x0], $0xffff  }
0x20e: {  	v2 =	vld.idx.msk [tilespmem:v7+s20+$0x0], $0xffff;
	v6 =	vor.u32 $0x180, v5  }
0x20f: {  	v7 =	vor.u32 $0x180, v0;
	[tilespmem:s12+$0x80] =	vst v8  }
0x210: {  	v8 =	vld.idx.msk [tilespmem:v9+s20+$0x0], $0xffff;
	[tilespmem:s26+$0x80] =	vst v10  }
0x211: {  	s29 =	simm.s32 $0x40;
	s7 =	simm.s32 $0x40;
	v9 =	vor.u32 $0x180, v4;
	v10 =	vld.idx.msk [tilespmem:v11+s20+$0x0], $0xffff  }
0x212: {  	s5 =	sand.u32 $0x40, s7;
	v11 =	vld [tilespmem:s29+$0x0];
	[tilespmem:s25+$0x100] =	vst v1  }
0x213: {  	s31 =	sand.u32 $0x380, s7;
	s8 =	sor.u32 $0x30, s5;
	[tilespmem:s3+$0x100] =	vst v2;
	v1 =	vld.idx.msk [tilespmem:v6+s20+$0x0], $0xffff  }
0x214: {  	s13 =	sor.u32 s8, s31;
	v2 =	vor.u32 $0x180, v3;
	v6 =	vld.idx.msk [tilespmem:v7+s20+$0x0], $0xffff  }
0x215: {  	s23 =	sor.u32 $0x10, s5;
	v7 =	vor.u32 $0x200, v5;
	[tilespmem:s12+$0x100] =	vst v8;
	v8 =	vld [tilespmem:s13+$0x0]  }
0x216: {  	s24 =	sor.u32 $0x20, s5;
	s14 =	sor.u32 s23, s31;
	v9 =	vld.idx.msk [tilespmem:v9+s20+$0x0], $0xffff  }
0x217: {  	s4 =	sor.u32 s24, s31;
	v13 =	vld [tilespmem:s14+$0x0];
	v12 =	vor.u32 $0x200, v4;
	v14 =	vshll.u32 v11, $0x3  }
0x218: {  	v15 =	vld [tilespmem:s4+$0x0];
	[tilespmem:s26+$0x100] =	vst v10;
	v10 =	vor.u32 $0x200, v0;
	v11 =	vand.u32 $0x7F, v11;
	v14 =	vand.u32 $0xFFFFFC00, v14  }
0x219: {  	p0 =	por $0x0, $0x0;
	s4 =	simm.s32 $0x1;
	v16 =	vld.idx.msk [tilespmem:v2+s20+$0x0], $0xffff;
	[tilespmem:s25+$0x180] =	vst v1;
	v1 =	vor.u32 v11, v14  }
0x21a: {  	s4 =	simm.s32 @!p0 $0x0;
	v11 =	vor.u32 $0x200, v3;
	v7 =	vld.idx.msk [tilespmem:v7+s20+$0x0], $0xffff;
	v2 =	vshll.u32 v8, $0x3  }
0x21b: {  	s4 =	sshll.u32 s4, $0x6;
	v8 =	vand.u32 $0x7F, v8;
	[tilespmem:s12+$0x180] =	vst v9;
	v2 =	vand.u32 $0xFFFFFC00, v2;
	v9 =	vor.u32 $0x280, v5  }
0x21c: {  	s6 =	sadd.s32 $0x0, s4;
	v14 =	vor.u32 $0x280, v4;
	[tilespmem:s3+$0x180] =	vst v6;
	v6 =	vld.idx.msk [tilespmem:v12+s20+$0x0], $0xffff;
	v12 =	vshll.u32 v13, $0x3;
	v2 =	vor.u32 v8, v2  }
0x21d: {  	s3 =	sadd.s32 $0x30, s6;
	v8 =	vld.idx.msk [tilespmem:v10+s20+$0x0], $0xffff;
	v10 =	vshll.u32 v15, $0x3;
	v13 =	vand.u32 $0x7F, v13;
	v12 =	vand.u32 $0xFFFFFC00, v12  }
0x21e: {  	s25 =	sor.u32 $0x200, s3;
	v10 =	vand.u32 $0xFFFFFC00, v10;
	[tilespmem:s26+$0x180] =	vst v16;
	v17 =	vld.idx.msk [tilespmem:v1+s20+$0x0], $0xffff;
	v21 =	vor.u32 v13, v12;
	v12 =	vand.u32 $0x7F, v15  }
0x21f: {  	s12 =	sadd.s32 $0x10, s6;
	v11 =	vld.idx.msk [tilespmem:v11+s20+$0x0], $0xffff;
	v10 =	vor.u32 v12, v10;
	[tilespmem:s25+$0x16400] =	vst v7  }
0x220: {  	s26 =	sor.u32 $0x200, s12;
	v7 =	vor.u32 $0x280, v0;
	v9 =	vld.idx.msk [tilespmem:v9+s20+$0x0], $0xffff  }
0x221: {  	s21 =	simm.s32 $0x200;
	s29 =	sor.u32 $0x200, s6;
	v12 =	vor.u32 $0x280, v3;
	v13 =	vld.idx.msk [tilespmem:v2+s20+$0x0], $0xffff;
	[tilespmem:s26+$0x16400] =	vst v6  }
0x222: {  	s15 =	sand.u32 $0x1C00, s21;
	s14 =	sadd.s32 $0x20, s6;
	[tilespmem:s29+$0x16400] =	vst v8;
	v8 =	vor.u32 $0x80, v1;
	v6 =	vld.idx.msk [tilespmem:v14+s20+$0x0], $0xffff  }
0x223: {  	s1 =	sadd.s32 $0x16400, s15;
	s31 =	sor.u32 $0x200, s14;
	v14 =	vor.u32 $0x300, v5;
	v15 =	vld.idx.msk [tilespmem:v21+s20+$0x0], $0xffff  }
0x224: {  	s5 =	sor.u32 s5, s1;
	v16 =	vor.u32 $0x80, v2;
	[tilespmem:s31+$0x16400] =	vst v11;
	v18 =	vld.idx.msk [tilespmem:v10+s20+$0x0], $0xffff  }
0x225: {  	s22 =	sor.u32 $0x280, s3;
	v19 =	vor.u32 $0x80, v21;
	[tilespmem:s5+$0x0] =	vst v17;
	v7 =	vld.idx.msk [tilespmem:v7+s20+$0x0], $0xffff  }
0x226: {  	s11 =	sor.u32 s8, s1;
	v11 =	vld.idx.msk [tilespmem:v12+s20+$0x0], $0xffff;
	v12 =	vor.u32 $0x300, v4;
	[tilespmem:s22+$0x16400] =	vst v9  }
0x227: {  	s30 =	sor.u32 s23, s1;
	s23 =	sor.u32 $0x280, s12;
	v9 =	vor.u32 $0x80, v10;
	[tilespmem:s11+$0x0] =	vst v13;
	v8 =	vld.idx.msk [tilespmem:v8+s20+$0x0], $0xffff  }
0x228: {  	v13 =	vld.idx.msk [tilespmem:v14+s20+$0x0], $0xffff;
	v14 =	vor.u32 $0x300, v3;
	[tilespmem:s23+$0x16400] =	vst v6  }
0x229: {  	s8 =	sor.u32 s24, s1;
	v5 =	vor.u32 $0x380, v5;
	v16 =	vld.idx.msk [tilespmem:v16+s20+$0x0], $0xffff;
	[tilespmem:s30+$0x0] =	vst v15  }
0x22a: {  	s24 =	sor.u32 $0x280, s14;
	v17 =	vor.u32 $0x100, v2;
	v15 =	vld.idx.msk [tilespmem:v19+s20+$0x0], $0xffff;
	[tilespmem:s8+$0x0] =	vst v18  }
0x22b: {  	v6 =	vor.u32 $0x100, v1;
	v22 =	vld.idx.msk [tilespmem:v12+s20+$0x0], $0xffff;
	[tilespmem:s24+$0x16400] =	vst v11  }
0x22c: {  	s25 =	sor.u32 $0x300, s3;
	v19 =	vor.u32 $0x100, v21;
	v9 =	vld.idx.msk [tilespmem:v9+s20+$0x0], $0xffff;
	[tilespmem:s5+$0x80] =	vst v8  }
0x22d: {  	v20 =	vor.u32 $0x100, v10;
	v14 =	vld.idx.msk [tilespmem:v14+s20+$0x0], $0xffff;
	[tilespmem:s25+$0x16400] =	vst v13  }
0x22e: {  	[tilespmem:s11+$0x80] =	vst v16;
	v16 =	vor.u32 $0x300, v0;
	v23 =	vld.idx.msk [tilespmem:v5+s20+$0x0], $0xffff  }
0x22f: {  	v24 =	vor.u32 $0x380, v4;
	s29 =	sor.u32 $0x300, s12;
	v18 =	vld.idx.msk [tilespmem:v17+s20+$0x0], $0xffff;
	[tilespmem:s30+$0x80] =	vst v15  }
0x230: {  	v4 =	vor.u32 $0x380, v21;
	v17 =	vld.idx.msk [tilespmem:v6+s20+$0x0], $0xffff;
	[tilespmem:s29+$0x16400] =	vst v22  }
0x231: {  	s16 =	sadd.s32 $0x18, s16;
	s0 =	sor.u32 s2, s0;
	s26 =	sor.u32 $0x280, s6;
	v11 =	vor.u32 $0x200, v21;
	v8 =	vor.u32 $0x280, v21;
	v22 =	vor.u32 $0x180, v2;
	v19 =	vld.idx.msk [tilespmem:v19+s20+$0x0], $0xffff;
	[tilespmem:s8+$0x80] =	vst v9  }
0x232: {  	s0 =	sor.u32 $0x380, s0;
	s15 =	sor.u32 $0x300, s14;
	s2 =	sor.u32 $0x380, s14;
	[tilespmem:s26+$0x16400] =	vst v7;
	v13 =	vor.u32 $0x180, v21;
	v6 =	vor.u32 $0x300, v21;
	v21 =	vor.u32 $0x180, v1;
	v20 =	vld.idx.msk [tilespmem:v20+s20+$0x0], $0xffff  }
0x233: {  	s28 =	sor.u32 $0x380, s12;
	s3 =	sor.u32 $0x380, s3;
	s31 =	sor.u32 s21, s7;
	v3 =	vor.u32 $0x380, v3;
	v12 =	vor.u32 $0x180, v10;
	v7 =	vor.u32 $0x280, v10;
	v15 =	vld.idx.msk [tilespmem:v16+s20+$0x0], $0xffff  }
0x234: {  	s23 =	simm.s32 $0x80;
	s25 =	sor.u32 $0x300, s6;
	s6 =	sor.u32 $0x380, s31;
	v5 =	vor.u32 $0x300, v10;
	v9 =	vor.u32 $0x200, v10;
	v10 =	vor.u32 $0x380, v10;
	v16 =	vld.idx.msk [tilespmem:v24+s20+$0x0], $0xffff;
	[tilespmem:s3+$0x16400] =	vst v23  }
.LBB2_9:
0x235: {  	s7 =	sadd.s32 $0x40, s7;
	v23 =	vld [tilespmem:s23+$0x0];
	[tilespmem:s11+$0x100] =	vst v18  }
0x236: {  	s12 =	sand.u32 $0x40, s7;
	p2 =	slt.u32 s7, $0x3C0;
	[tilespmem:s5+$0x100] =	vst v17;
	v17 =	vld.idx.msk [tilespmem:v22+s20+$0x0], $0xffff  }
0x237: {  	s1 =	sand.u32 $0x380, s7;
	s13 =	sor.u32 $0x10, s12;
	s14 =	sor.u32 $0x30, s12;
	v18 =	vld.idx.msk [tilespmem:v21+s20+$0x0], $0xffff;
	[tilespmem:s30+$0x100] =	vst v19  }
0x238: {  	s22 =	sor.u32 $0x20, s12;
	v19 =	vor.u32 $0x200, v2;
	s3 =	sor.u32 s13, s1;
	s4 =	sor.u32 s14, s1;
	v13 =	vld.idx.msk [tilespmem:v13+s20+$0x0], $0xffff;
	[tilespmem:s8+$0x100] =	vst v20  }
0x239: {  	v21 =	vor.u32 $0x200, v1;
	s1 =	sor.u32 s22, s1;
	v20 =	vld [tilespmem:s4+$0x0];
	[tilespmem:s15+$0x16400] =	vst v14  }
0x23a: {  	v14 =	vld [tilespmem:s3+$0x0];
	[tilespmem:s25+$0x16400] =	vst v15  }
0x23b: {  	v15 =	vshll.u32 v23, $0x3;
	v22 =	vld [tilespmem:s1+$0x0];
	[tilespmem:s28+$0x16400] =	vst v16  }
0x23c: {  	v16 =	vand.u32 $0x7F, v23;
	v15 =	vand.u32 $0xFFFFFC00, v15;
	v12 =	vld.idx.msk [tilespmem:v12+s20+$0x0], $0xffff;
	[tilespmem:s11+$0x180] =	vst v17;
	v17 =	vor.u32 $0x380, v0;
	v0 =	vmovc v1  }
0x23d: {  	p0 =	por !p0, !p0;
	s1 =	simm.s32 $0x1;
	v1 =	vor.u32 v16, v15;
	[tilespmem:s5+$0x180] =	vst v18;
	v15 =	vld.idx.msk [tilespmem:v19+s20+$0x0], $0xffff  }
0x23e: {  	s1 =	simm.s32 @!p0 $0x0;
	v16 =	vshll.u32 v20, $0x3;
	v18 =	vld.idx.msk [tilespmem:v21+s20+$0x0], $0xffff;
	[tilespmem:s30+$0x180] =	vst v13  }
0x23f: {  	s1 =	sshll.u32 s1, $0x6;
	v13 =	vand.u32 $0x7F, v20;
	v16 =	vand.u32 $0xFFFFFC00, v16;
	v19 =	vld.idx.msk [tilespmem:v11+s20+$0x0], $0xffff;
	v11 =	vor.u32 $0x280, v2  }
0x240: {  	s4 =	sadd.s32 s1, s21;
	v20 =	vshll.u32 v14, $0x3;
	v21 =	vshll.u32 v22, $0x3;
	v16 =	vor.u32 v13, v16;
	v23 =	vld.idx.msk [tilespmem:v3+s20+$0x0], $0xffff;
	v3 =	vmovc v10  }
0x241: {  	s5 =	sadd.s32 $0x10, s4;
	s11 =	sadd.s32 $0x20, s4;
	s3 =	sadd.s32 $0x30, s4;
	v10 =	vand.u32 $0x7F, v14;
	v13 =	vand.u32 $0xFFFFFC00, v20;
	v14 =	vand.u32 $0xFFFFFC00, v21;
	v17 =	vld.idx.msk [tilespmem:v17+s20+$0x0], $0xffff  }
0x242: {  	s28 =	sor.u32 $0x200, s5;
	s15 =	sor.u32 $0x200, s3;
	v10 =	vor.u32 v10, v13;
	v13 =	vand.u32 $0x7F, v22;
	v21 =	vor.u32 $0x280, v0;
	v20 =	vld.idx.msk [tilespmem:v1+s20+$0x0], $0xffff;
	[tilespmem:s8+$0x180] =	vst v12;
	s8 =	sor.u32 $0x200, s11  }
0x243: {  	s24 =	sor.u32 $0x200, s4;
	s1 =	sor.u32 $0x280, s5;
	s29 =	sor.u32 $0x280, s11;
	v22 =	vor.u32 $0x80, v10;
	v24 =	vor.u32 $0x100, v10;
	v14 =	vor.u32 v13, v14;
	v25 =	vld.idx.msk [tilespmem:v9+s20+$0x0], $0xffff;
	[tilespmem:s15+$0x16400] =	vst v15  }
0x244: {  	s26 =	sor.u32 $0x280, s4;
	v13 =	vor.u32 $0x180, v10;
	v15 =	vor.u32 $0x80, v14;
	v26 =	vor.u32 $0x100, v14;
	s15 =	sor.u32 $0x300, s11;
	[tilespmem:s24+$0x16400] =	vst v18;
	s24 =	sor.u32 $0x300, s5;
	v18 =	vld.idx.msk [tilespmem:v11+s20+$0x0], $0xffff  }
0x245: {  	s25 =	sor.u32 $0x300, s4;
	s4 =	sor.u32 $0x380, s11;
	v12 =	vor.u32 $0x180, v14;
	v9 =	vor.u32 $0x200, v14;
	v11 =	vor.u32 $0x200, v10;
	v27 =	vld.idx.msk [tilespmem:v16+s20+$0x0], $0xffff;
	[tilespmem:s28+$0x16400] =	vst v19;
	s28 =	sor.u32 $0x380, s5  }
0x246: {  	v29 =	vor.u32 $0x300, v2;
	v19 =	vor.u32 $0x280, v14;
	v28 =	vld.idx.msk [tilespmem:v8+s20+$0x0], $0xffff;
	v8 =	vor.u32 $0x280, v10;
	[tilespmem:s2+$0x16400] =	vst v23;
	s2 =	smov.u32 s4  }
0x247: {  	s21 =	sadd.s32 $0x200, s21;
	v32 =	vor.u32 $0x80, v16;
	v30 =	vor.u32 $0x300, v10;
	v31 =	vor.u32 $0x300, v14;
	v23 =	vld.idx.msk [tilespmem:v10+s20+$0x0], $0xffff;
	[tilespmem:s0+$0x16400] =	vst v17;
	s0 =	smov.u32 s6  }
0x248: {  	v33 =	vor.u32 $0x380, v10;
	s5 =	sor.u32 s21, s7;
	s4 =	sand.u32 $0x1C00, s21;
	v17 =	vor.u32 $0x80, v1;
	v10 =	vor.u32 $0x380, v14;
	v34 =	vld.idx.msk [tilespmem:v14+s20+$0x0], $0xffff  }
0x249: {  	s4 =	sadd.s32 $0x16400, s4;
	s6 =	sor.u32 $0x380, s5;
	s5 =	sor.u32 $0x280, s3;
	v35 =	vld.idx.msk [tilespmem:v21+s20+$0x0], $0xffff;
	[tilespmem:s8+$0x16400] =	vst v25  }
0x24a: {  	s30 =	sor.u32 s13, s4;
	s11 =	sor.u32 s14, s4;
	s8 =	sor.u32 s22, s4;
	v14 =	vld.idx.msk [tilespmem:v7+s20+$0x0], $0xffff;
	[tilespmem:s5+$0x16400] =	vst v18;
	v7 =	vmov v19  }
0x24b: {  	s5 =	sor.u32 s12, s4;
	[tilespmem:s11+$0x0] =	vst v27;
	v18 =	vld.idx.msk [tilespmem:v29+s20+$0x0], $0xffff  }
0x24c: {  	[tilespmem:s5+$0x0] =	vst v20;
	v19 =	vld.idx.msk [tilespmem:v32+s20+$0x0], $0xffff  }
0x24d: {  	v20 =	vor.u32 $0x380, v2;
	v2 =	vmov v16;
	v17 =	vld.idx.msk [tilespmem:v17+s20+$0x0], $0xffff;
	[tilespmem:s30+$0x0] =	vst v23  }
0x24e: {  	v21 =	vor.u32 $0x100, v2;
	v16 =	vld.idx.msk [tilespmem:v22+s20+$0x0], $0xffff;
	[tilespmem:s8+$0x0] =	vst v34  }
0x24f: {  	v22 =	vor.u32 $0x100, v1;
	v15 =	vld.idx.msk [tilespmem:v15+s20+$0x0], $0xffff;
	[tilespmem:s1+$0x16400] =	vst v28  }
0x250: {  	s1 =	sor.u32 $0x300, s3;
	v23 =	vld.idx.msk [tilespmem:v6+s20+$0x0], $0xffff;
	[tilespmem:s29+$0x16400] =	vst v14;
	v6 =	vmov v30  }
0x251: {  	v14 =	vld.idx.msk [tilespmem:v5+s20+$0x0], $0xffff;
	[tilespmem:s1+$0x16400] =	vst v18;
	v5 =	vmov v31  }
0x252: {  	v25 =	vor.u32 $0x300, v0;
	[tilespmem:s11+$0x80] =	vst v19;
	v27 =	vld.idx.msk [tilespmem:v20+s20+$0x0], $0xffff  }
0x253: {  	[tilespmem:s5+$0x80] =	vst v17;
	v18 =	vld.idx.msk [tilespmem:v21+s20+$0x0], $0xffff  }
.Ltmp5:
0x254: {  	v17 =	vld.idx.msk [tilespmem:v22+s20+$0x0], $0xffff;
	[tilespmem:s30+$0x80] =	vst v16;
	(pc) =	sbr.rel @p2 .LBB2_9-.Ltmp5, $4  }
0x255: {  	v22 =	vor.u32 $0x180, v2;
	v19 =	vld.idx.msk [tilespmem:v24+s20+$0x0], $0xffff;
	[tilespmem:s8+$0x80] =	vst v15  }
0x256: {  	v21 =	vor.u32 $0x180, v1;
	v20 =	vld.idx.msk [tilespmem:v26+s20+$0x0], $0xffff;
	[tilespmem:s26+$0x16400] =	vst v35  }
0x257: {  	s1 =	sor.u32 $0x380, s3;
	v15 =	vld.idx.msk [tilespmem:v25+s20+$0x0], $0xffff;
	[tilespmem:s24+$0x16400] =	vst v23  }
0x258: {  	s23 =	sadd.s32 $0x40, s23;
	v16 =	vld.idx.msk [tilespmem:v4+s20+$0x0], $0xffff;
	[tilespmem:s1+$0x16400] =	vst v27;
	v4 =	vmov v33  }
0x259: {  	_ =	sdelay $0x2  }
0x25a: {  	[tilespmem:s11+$0x100] =	vst v18  }
0x25b: {  	[tilespmem:s5+$0x100] =	vst v17;
	v18 =	vld.idx.msk [tilespmem:v22+s20+$0x0], $0xffff  }
0x25c: {  	v53 =	vor.u32 $0x200, v2;
	[tilespmem:s30+$0x100] =	vst v19;
	v17 =	vld.idx.msk [tilespmem:v21+s20+$0x0], $0xffff  }
0x25d: {  	v54 =	vor.u32 $0x200, v1;
	v13 =	vld.idx.msk [tilespmem:v13+s20+$0x0], $0xffff;
	[tilespmem:s8+$0x100] =	vst v20  }
0x25e: {  	v12 =	vld.idx.msk [tilespmem:v12+s20+$0x0], $0xffff;
	_ =	sdelay $0x1  }
0x25f: {  	p0 =	por !p0, !p0;
	s1 =	simm.s32 $0x1;
	[tilespmem:s11+$0x180] =	vst v18  }
0x260: {  	s1 =	simm.s32 @!p0 $0x0;
	[tilespmem:s5+$0x180] =	vst v17;
	v18 =	vld.idx.msk [tilespmem:v53+s20+$0x0], $0xffff  }
0x261: {  	v55 =	vor.u32 $0x280, v2;
	s1 =	sshll.u32 s1, $0x6;
	[tilespmem:s30+$0x180] =	vst v13;
	v56 =	vld.idx.msk [tilespmem:v54+s20+$0x0], $0xffff  }
0x262: {  	v57 =	vor.u32 $0x280, v1;
	s1 =	sadd.s32 s1, s21;
	v11 =	vld.idx.msk [tilespmem:v11+s20+$0x0], $0xffff;
	[tilespmem:s8+$0x180] =	vst v12  }
0x263: {  	s3 =	sadd.s32 $0x30, s1;
	v9 =	vld.idx.msk [tilespmem:v9+s20+$0x0], $0xffff  }
0x264: {  	s26 =	sor.u32 $0x200, s3  }
0x265: {  	s4 =	sadd.s32 $0x10, s1;
	s11 =	sor.u32 $0x200, s1;
	[tilespmem:s26+$0x16400] =	vst v18  }
0x266: {  	s7 =	sadd.s32 $0x20, s1;
	s30 =	sor.u32 $0x200, s4;
	[tilespmem:s11+$0x16400] =	vst v56;
	v13 =	vld.idx.msk [tilespmem:v55+s20+$0x0], $0xffff  }
0x267: {  	v58 =	vor.u32 $0x300, v2;
	s31 =	sor.u32 $0x200, s7;
	[tilespmem:s30+$0x16400] =	vst v11;
	v59 =	vld.idx.msk [tilespmem:v57+s20+$0x0], $0xffff  }
0x268: {  	v60 =	vor.u32 $0x300, v1;
	v8 =	vld.idx.msk [tilespmem:v8+s20+$0x0], $0xffff;
	[tilespmem:s31+$0x16400] =	vst v9  }
0x269: {  	v7 =	vld.idx.msk [tilespmem:v7+s20+$0x0], $0xffff  }
0x26a: {  	[tilespmem:s15+$0x16400] =	vst v14;
	s12 =	sor.u32 $0x280, s3  }
0x26b: {  	s15 =	sor.u32 $0x280, s1;
	[tilespmem:s12+$0x16400] =	vst v13  }
0x26c: {  	v0 =	vor.u32 $0x380, v0;
	s13 =	sor.u32 $0x280, s4;
	[tilespmem:s15+$0x16400] =	vst v59;
	v11 =	vld.idx.msk [tilespmem:v58+s20+$0x0], $0xffff  }
0x26d: {  	v61 =	vor.u32 $0x380, v2;
	s14 =	sor.u32 $0x280, s7;
	[tilespmem:s13+$0x16400] =	vst v8;
	v62 =	vld.idx.msk [tilespmem:v60+s20+$0x0], $0xffff  }
0x26e: {  	v63 =	vor.u32 $0x380, v1;
	v6 =	vld.idx.msk [tilespmem:v6+s20+$0x0], $0xffff;
	[tilespmem:s14+$0x16400] =	vst v7  }
0x26f: {  	[tilespmem:s25+$0x16400] =	vst v15;
	v5 =	vld.idx.msk [tilespmem:v5+s20+$0x0], $0xffff  }
0x270: {  	v3 =	vld.idx.msk [tilespmem:v3+s20+$0x0], $0xffff;
	[tilespmem:s28+$0x16400] =	vst v16;
	s21 =	sor.u32 $0x300, s3  }
0x271: {  	v0 =	vld.idx.msk [tilespmem:v0+s20+$0x0], $0xffff;
	s1 =	sor.u32 $0x300, s1;
	[tilespmem:s21+$0x16400] =	vst v11  }
0x272: {  	s22 =	sor.u32 $0x300, s4;
	[tilespmem:s1+$0x16400] =	vst v62;
	v2 =	vld.idx.msk [tilespmem:v61+s20+$0x0], $0xffff  }
0x273: {  	s23 =	sor.u32 $0x300, s7;
	[tilespmem:s22+$0x16400] =	vst v6;
	v1 =	vld.idx.msk [tilespmem:v63+s20+$0x0], $0xffff  }
0x274: {  	v4 =	vld.idx.msk [tilespmem:v4+s20+$0x0], $0xffff;
	[tilespmem:s23+$0x16400] =	vst v5  }
0x275: {  	[tilespmem:s2+$0x16400] =	vst v3;
	v5 =	vld.idx.msk [tilespmem:v10+s20+$0x0], $0xffff  }
0x276: {  	s24 =	sor.u32 $0x380, s3;
	[tilespmem:s0+$0x16400] =	vst v0  }
.Ltmp6:
0x277: {  	[tilespmem:s24+$0x16400] =	vst v2;
	(pc) =	sbr.rel @p1 .LBB2_12-.Ltmp6, $4  }
0x278: {  	s25 =	sor.u32 $0x380, s4;
	[tilespmem:s6+$0x16400] =	vst v1  }
0x279: {  	s28 =	sshll.u32 s16, $0x7;
	s26 =	sor.u32 $0x380, s7;
	s30 =	rddreg [dreg:$0x2];
	[tilespmem:s25+$0x16400] =	vst v4  }
0x27a: {  	s29 =	simm.s32 $0x0;
	s0 =	sadd.s32 s30, s28;
	s31 =	simm.s32 $0x16400;
	[tilespmem:s26+$0x16400] =	vst v5  }
0x27b: {  	[hbm4b:s0+s29] =	stream.linear.scatter [tilespmem:s31], [sflag:$0x8], $0x2000, $0x38;
	[tilespmem:$0x18400] =	vst v63  }
.Ltmp7:
0x27c: {  	s0 =	rddreg [dreg:$0xe];
	(pc) =	sbr.rel .LBB2_2-.Ltmp7, $4  }
0x27d: {  	s0 =	sadd.s32 s10, s0  }
0x27e: {  	s1 =	rddreg [dreg:$0x0];
	s0 =	sshll.u32 s0, $0xB  }
0x27f: {  	s9 =	sadd.s32 $0x1, s9;
	s0 =	sadd.s32 s1, s0  }
0x280: {  	[tilespmem:s20], [sflag:$0x4] =	stream.linear.gather [hbm4b:s0+s29], $0x4000, $0x38;
	[tilespmem:$0x18400] =	vst v63  }
.LBB2_13:
0x281: {  	_ =	sfence.sel $0x180000  }
0x282: {  	[bflag:$0x0] =	sbarrier.arrive $0xFFFF  }
0x283: {  	_ =	strace $0x90000047  }
0x284: {  	s0 =	stileid.u32;
	[bflag:$0x2] =	sbarrier.arrive $0xFFFF  }
0x285: {  	p0 =	sne.s32 s0, $0x0;
	s0 =	rddreg [dreg:$0x3]  }
0x286: {  	s0 =	sadd.s32 @!p0 $0x100000, s0  }
0x287: {  	[sflag:s0] =	ssyncadd.tile.s32 @!p0 $0x1;
	_ =	shalt  }
.Lfunc_end2:
_tile_overlayer_lowered:
.L_overlay_start_2:
0x288: {  	(tag) =	ssettag $0x2  }
0x289: {  	s0 =	rddreg [dreg:$0x0];
	s2 =	stileid.u32  }
0x28a: {  	s1 =	rddreg [dreg:$0x1];
	p0 =	sne.s32 s2, $0x0  }
0x28b: {  	s3 =	rddreg [dreg:$0x2];
	[bflag:$0x3] =	sbarrier.arrive $0xFFFF;
	s2 =	simm.s32 @!p0 $0x1C09  }
0x28c: {  	[timem:s3], [sflag:s2] =	dma.local @!p0 [hbm:s0], s1  }
0x28d: {  	s0 =	simm.s32 @!p0 $0x9  }
0x28e: {  	_ =	swait.ge @!p0 [sflag:s0], s1  }
0x28f: {  	s1 =	ssub.s32 @!p0 $0x0, s1;
	[sflag:s0] =	ssyncset.done @!p0 $0x0  }
0x290: {  	[sflag:s0] =	ssyncadd.s32 @!p0 s1  }
0x291: {  	[bflag:$0x3] =	sbarrier.arrive $0xFFFF  }
0x292: {  	_ =	shalt  }

</sc_bundles>
